<compile_context>
chip_gen: v7x
topology: tpu7x:2x2x1
jax: 0.10.2.dev20260603
libtpu: 0.0.44.dev20260713+nightly
codegen_flags: <defaults>
</compile_context>

<pallas_src>
import functools

import jax
import jax.numpy as jnp
from jax import lax
from jax.experimental import pallas as pl
from jax.experimental.pallas import tpu as pltpu
from jax.experimental.pallas import tpu_sc as plsc

HIDDEN = 4096
SEQ = 2048
N_CENT = 1024

NW = 32
ROWS_PER_TILE = SEQ // NW
CHUNK = 8
N_CHUNKS = ROWS_PER_TILE // CHUNK
LANES = 16
COL_CHUNKS = HIDDEN // LANES

CENT_BLOCK = 512
N_CENT_BLOCKS = N_CENT // CENT_BLOCK


N_BUF = 3


def _gather_sum_body(ids_hbm, table_hbm, out_hbm, idx_v, rows_v, acc_v,
                     sem0, sem1, sem2):
    wid = lax.axis_index("s") * 2 + lax.axis_index("c")
    pltpu.sync_copy(ids_hbm.at[pl.ds(wid * N_CHUNKS, N_CHUNKS)], idx_v)
    sems = (sem0, sem1, sem2)

    def start(c):
        buf = c % N_BUF
        return pltpu.async_copy(
            table_hbm.at[idx_v.at[c]], rows_v.at[buf], sems[buf])

    cps = [start(0), start(1), None]
    for c in range(N_CHUNKS):
        buf = c % N_BUF
        if c + 2 < N_CHUNKS:
            cps[(c + 2) % N_BUF] = start(c + 2)
        cps[buf].wait()

        if c == 0:
            @functools.partial(plsc.parallel_loop, 0, COL_CHUNKS, unroll=4)
            def _(j):
                col = pl.ds(j * LANES, LANES)
                s = rows_v[0, 0, col]
                for r in range(1, CHUNK):
                    s = s + rows_v[0, r, col]
                acc_v[col] = s
        else:
            @functools.partial(plsc.parallel_loop, 0, COL_CHUNKS, unroll=4)
            def _(j, _buf=buf):
                col = pl.ds(j * LANES, LANES)
                s = acc_v[col]
                for r in range(CHUNK):
                    s = s + rows_v[_buf, r, col]
                acc_v[col] = s

    pltpu.sync_copy(acc_v, out_hbm.at[wid])


@functools.cache
def _sc_gather_sum():
    return pl.kernel(
        _gather_sum_body,
        mesh=plsc.VectorSubcoreMesh(core_axis_name="c", subcore_axis_name="s"),
        out_type=jax.ShapeDtypeStruct((NW, HIDDEN), jnp.float32),
        scratch_types=[
            pltpu.VMEM((N_CHUNKS, CHUNK), jnp.int32),
            pltpu.VMEM((N_BUF, CHUNK, HIDDEN), jnp.float32),
            pltpu.VMEM((HIDDEN,), jnp.float32),
            pltpu.SemaphoreType.DMA,
            pltpu.SemaphoreType.DMA,
            pltpu.SemaphoreType.DMA,
        ],
    )


def _score_body(cid_ref, partials, cand, cent, vsurf, out, x_scr, min_scr):
    step = pl.program_id(0)

    @pl.when(step == 0)
    def _():
        sub = cid_ref[0] % 8
        mask = lax.broadcasted_iota(jnp.int32, (8, 1), 0) == sub
        cand_row = jnp.sum(jnp.where(mask, cand[...], 0.0), axis=0,
                           keepdims=True)
        xsum = jnp.sum(partials[...], axis=0, keepdims=True) + cand_row
        x_scr[...] = xsum * (1.0 / (SEQ + 1))
        min_scr[0] = jnp.float32(jnp.inf)

    x = x_scr[...]
    c = cent[...]
    ones = jnp.ones((1, HIDDEN), jnp.float32)
    nrm = lax.dot_general(c * c, ones, (((1,), (1,)), ((), ())),
                          precision=lax.Precision.HIGHEST,
                          preferred_element_type=jnp.float32)
    cx = lax.dot_general(c, x, (((1,), (1,)), ((), ())),
                         precision=lax.Precision.HIGHEST,
                         preferred_element_type=jnp.float32)
    min_scr[0] = jnp.minimum(min_scr[0], jnp.min(nrm - 2.0 * cx))

    @pl.when(step == N_CENT_BLOCKS - 1)
    def _():
        d2 = min_scr[0] + jnp.sum(x * x)
        dist = jnp.sqrt(d2)
        prox = 1.0 / (1.0 + dist)
        value = jnp.sum(vsurf[...] * x)
        vscore = 1.0 / (1.0 + jnp.exp(-value))
        score = jnp.exp(0.4 * jnp.log(prox) + 0.1 * jnp.log(vscore))
        out[...] = jnp.reshape(jnp.clip(score, 0.0, 1.0), (1, 1))


def kernel(context_ids, candidate_id, model_embeddings, reference_frame,
           attractor_centroids, value_surface):
    del reference_frame
    ids = context_ids.astype(jnp.int32).reshape(NW * N_CHUNKS, CHUNK)
    partials = _sc_gather_sum()(ids, model_embeddings)

    cid = jnp.asarray(candidate_id, jnp.int32).reshape(1)
    vsurf = value_surface.reshape(1, HIDDEN)

    score = pl.pallas_call(
        _score_body,
        grid_spec=pltpu.PrefetchScalarGridSpec(
            num_scalar_prefetch=1,
            grid=(N_CENT_BLOCKS,),
            in_specs=[
                pl.BlockSpec((NW, HIDDEN), lambda i, cid: (0, 0)),
                pl.BlockSpec((8, HIDDEN), lambda i, cid: (cid[0] // 8, 0)),
                pl.BlockSpec((CENT_BLOCK, HIDDEN), lambda i, cid: (i, 0)),
                pl.BlockSpec((1, HIDDEN), lambda i, cid: (0, 0)),
            ],
            out_specs=pl.BlockSpec((1, 1), lambda i, cid: (0, 0)),
            scratch_shapes=[
                pltpu.VMEM((1, HIDDEN), jnp.float32),
                pltpu.SMEM((1,), jnp.float32),
            ],
        ),
        out_shape=jax.ShapeDtypeStruct((1, 1), jnp.float32),
    )(cid, partials, model_embeddings, attractor_centroids, vsurf)
    return score[0, 0]

# --- scband reference (transcript-rebuilt; emitter-appended) ---
"""Pipeline reference for scband-clock-head-68272800137419 (READ-ONLY COPY).

The authoritative reference and input builder live on the scoring server;
editing this copy changes nothing except your own understanding.
"""

import jax, jax.numpy as jnp
import numpy as np

HIDDEN_DIM = 4096
N_ATTRACTORS = 1024
K_BASIS = 64
VOCAB = 32768
SEQ_LEN = 2048


def setup_inputs(seed: int = 0) -> dict:
    key = jax.random.key(seed)
    k1, k2, k3, k4, k5 = jax.random.split(key, 5)
    context_ids = jax.random.randint(k1, (SEQ_LEN,), 0, VOCAB)
    candidate_id = 777
    # model embedding table (stands in for nn.Embedding weight)
    model_embeddings = jax.random.normal(k2, (VOCAB, HIDDEN_DIM), dtype=jnp.float32) * 0.02
    # clock state geometry, matching ClockHead._initialize_state
    reference_frame = jax.random.normal(k3, (HIDDEN_DIM, K_BASIS), dtype=jnp.float32)
    reference_frame = reference_frame / jnp.linalg.norm(reference_frame, axis=0, keepdims=True)
    attractor_centroids = jax.random.normal(k4, (N_ATTRACTORS, HIDDEN_DIM), dtype=jnp.float32) * 0.1
    value_surface = jax.random.normal(k5, (HIDDEN_DIM,), dtype=jnp.float32) * 0.01
    return {
        'context_ids': context_ids,
        'candidate_id': candidate_id,
        'model_embeddings': model_embeddings,
        'reference_frame': reference_frame,
        'attractor_centroids': attractor_centroids,
        'value_surface': value_surface,
    }


def reference(context_ids, candidate_id, model_embeddings, reference_frame, attractor_centroids, value_surface):
    # embed_interaction: gather context + candidate embeddings, mean pool
    context_emb = jnp.take(model_embeddings, context_ids, axis=0)
    candidate_emb = jnp.take(model_embeddings, jnp.asarray([candidate_id]), axis=0)
    all_emb = jnp.concatenate([context_emb, candidate_emb], axis=0)
    x = all_emb.mean(axis=0)
    # project onto reference frame (computed in original, not used in score)
    x_proj = reference_frame.T @ x
    # find_nearest_basin: VQ-style nearest centroid lookup
    diffs = attractor_centroids - x.reshape(1, -1)
    distances = jnp.linalg.norm(diffs, axis=1)
    basin_idx = jnp.argmin(distances)
    distance = distances[basin_idx]
    proximity_score = 1.0 / (1.0 + distance)
    # current_basin is None at init -> trans_prob = 1.0
    trans_prob = 1.0
    # no constraints at init -> penalty 0
    constraint_score = jnp.exp(-0.0)
    value = jnp.dot(value_surface, x)
    value_score = 1.0 / (1.0 + jnp.exp(-value))
    score = (proximity_score ** 0.4) * (trans_prob ** 0.3) * (constraint_score ** 0.2) * (value_score ** 0.1)
    return jnp.clip(score, 0.0, 1.0)

if __name__ == "__main__":
    import jax
    _d = setup_inputs()
    print(jax.jit(kernel)(*tuple(_d.values())))

</pallas_src>

<mosaic_0001>
#map = affine_map<(d0, d1) -> (0, 0)>
module attributes {stable_mosaic.version = 14 : i64} {
  func.func @_gather_sum_body(%arg0: i32, %arg1: i32, %arg2: memref<256x8xi32, #tpu.memory_space<hbm>>, %arg3: memref<32768x4096xf32, #tpu.memory_space<hbm>>, %arg4: memref<32x4096xf32, #tpu.memory_space<hbm>>, %arg5: memref<8x8xi32, #tpu.memory_space<vmem>>, %arg6: memref<3x8x4096xf32, #tpu.memory_space<vmem>>, %arg7: memref<4096xf32, #tpu.memory_space<vmem>>, %arg8: memref<!tpu.dma_semaphore, #tpu.memory_space<semaphore_mem>>, %arg9: memref<!tpu.dma_semaphore, #tpu.memory_space<semaphore_mem>>, %arg10: memref<!tpu.dma_semaphore, #tpu.memory_space<semaphore_mem>>) attributes {dimension_semantics = [#tpu.dimension_semantics<core_parallel>, #tpu.dimension_semantics<subcore_parallel>], iteration_bounds = array<i64: 2, 16>, scalar_prefetch = 0 : i64, scratch_operands = 6 : i64, tpu.core_type = #tpu.core_type<sc_vector_subcore>, window_params = [{transform_indices = #map}, {transform_indices = #map}, {transform_indices = #map}]} {
    %mul3A = arith.constant 2 : i32
    %mul3A_0 = arith.muli %arg1, %mul3A : i32
    %add3A = arith.addi %mul3A_0, %arg0 : i32
    %mul3A_1 = arith.constant 8 : i32
    %mul3A_2 = arith.muli %add3A, %mul3A_1 : i32
    "tpu.region"() ({
      %run_scoped3A = tpu.sem_alloc : memref<!tpu.dma_semaphore, #tpu.memory_space<semaphore_mem>>
      %dma_start3A_193 = arith.constant 0 : i32
      %dma_start3A_194 = tpu.memref_slice %arg2[%mul3A_2, %dma_start3A_193] : memref<256x8xi32, #tpu.memory_space<hbm>> -> memref<8x8xi32, #tpu.memory_space<hbm>>
      %dma_start3A_195 = arith.constant 0 : i32
      %dma_start3A_196 = tpu.memref_slice %arg2[%mul3A_2, %dma_start3A_195] : memref<256x8xi32, #tpu.memory_space<hbm>> -> memref<8x8xi32, #tpu.memory_space<hbm>>
      tpu.enqueue_dma source(%dma_start3A_196 : memref<8x8xi32, #tpu.memory_space<hbm>>) target(%arg5 : memref<8x8xi32, #tpu.memory_space<vmem>>) target_semaphore(%run_scoped3A : memref<!tpu.dma_semaphore, #tpu.memory_space<semaphore_mem>>)
      %dma_wait3A_197 = arith.constant 0 : i32
      %dma_wait3A_198 = tpu.memref_slice %arg2[%mul3A_2, %dma_wait3A_197] : memref<256x8xi32, #tpu.memory_space<hbm>> -> memref<8x8xi32, #tpu.memory_space<hbm>>
      %dma_wait3A_199 = arith.constant 0 : i32
      %dma_wait3A_200 = tpu.memref_slice %arg2[%mul3A_2, %dma_wait3A_199] : memref<256x8xi32, #tpu.memory_space<hbm>> -> memref<8x8xi32, #tpu.memory_space<hbm>>
      tpu.wait_dma2 semaphore(%run_scoped3A : memref<!tpu.dma_semaphore, #tpu.memory_space<semaphore_mem>>) src(%dma_wait3A_200 : memref<8x8xi32, #tpu.memory_space<hbm>>) dst(%arg5 : memref<8x8xi32, #tpu.memory_space<vmem>>)
      tpu.yield
    }) : () -> ()
    %dma_start3A = arith.constant 0 : i32
    %dma_start3A_3 = arith.constant 0 : i32
    %dma_start3A_4 = arith.constant 0 : i32
    %dma_start3A_5 = arith.constant 0 : i32
    %dma_start3A_6 = tpu.memref_slice %arg6[%dma_start3A_3, %dma_start3A_4, %dma_start3A_5] : memref<3x8x4096xf32, #tpu.memory_space<vmem>> -> memref<1x8x4096xf32, #tpu.memory_space<vmem>>
    %dma_start3A_7 = tpu.memref_squeeze %dma_start3A_6 : memref<1x8x4096xf32, #tpu.memory_space<vmem>> -> memref<8x4096xf32, #tpu.memory_space<vmem>>
    %dma_start3A_8 = arith.constant 0 : i32
    %dma_start3A_9 = tpu.memref_slice %arg5[%dma_start3A, %dma_start3A_8] : memref<8x8xi32, #tpu.memory_space<vmem>> -> memref<1x8xi32, #tpu.memory_space<vmem>>
    %dma_start3A_10 = tpu.memref_squeeze %dma_start3A_9 : memref<1x8xi32, #tpu.memory_space<vmem>> -> memref<8xi32, #tpu.memory_space<vmem>>
    %dma_start3A_11 = arith.constant 0 : i32
    %dma_start3A_12 = arith.constant 0 : i32
    %dma_start3A_13 = tpu.memref_slice %arg3[%dma_start3A_11, %dma_start3A_12] : memref<32768x4096xf32, #tpu.memory_space<hbm>> -> memref<32768x4096xf32, #tpu.memory_space<hbm>>
    tpu.enqueue_indirect_dma source(%dma_start3A_13 : memref<32768x4096xf32, #tpu.memory_space<hbm>>) target(%dma_start3A_7 : memref<8x4096xf32, #tpu.memory_space<vmem>>) offsets(%dma_start3A_10 : memref<8xi32, #tpu.memory_space<vmem>>) semaphore(%arg8 : memref<!tpu.dma_semaphore, #tpu.memory_space<semaphore_mem>>)
    %dma_start3A_14 = arith.constant 1 : i32
    %dma_start3A_15 = arith.constant 1 : i32
    %dma_start3A_16 = arith.constant 0 : i32
    %dma_start3A_17 = arith.constant 0 : i32
    %dma_start3A_18 = tpu.memref_slice %arg6[%dma_start3A_15, %dma_start3A_16, %dma_start3A_17] : memref<3x8x4096xf32, #tpu.memory_space<vmem>> -> memref<1x8x4096xf32, #tpu.memory_space<vmem>>
    %dma_start3A_19 = tpu.memref_squeeze %dma_start3A_18 : memref<1x8x4096xf32, #tpu.memory_space<vmem>> -> memref<8x4096xf32, #tpu.memory_space<vmem>>
    %dma_start3A_20 = arith.constant 0 : i32
    %dma_start3A_21 = tpu.memref_slice %arg5[%dma_start3A_14, %dma_start3A_20] : memref<8x8xi32, #tpu.memory_space<vmem>> -> memref<1x8xi32, #tpu.memory_space<vmem>>
    %dma_start3A_22 = tpu.memref_squeeze %dma_start3A_21 : memref<1x8xi32, #tpu.memory_space<vmem>> -> memref<8xi32, #tpu.memory_space<vmem>>
    %dma_start3A_23 = arith.constant 0 : i32
    %dma_start3A_24 = arith.constant 0 : i32
    %dma_start3A_25 = tpu.memref_slice %arg3[%dma_start3A_23, %dma_start3A_24] : memref<32768x4096xf32, #tpu.memory_space<hbm>> -> memref<32768x4096xf32, #tpu.memory_space<hbm>>
    tpu.enqueue_indirect_dma source(%dma_start3A_25 : memref<32768x4096xf32, #tpu.memory_space<hbm>>) target(%dma_start3A_19 : memref<8x4096xf32, #tpu.memory_space<vmem>>) offsets(%dma_start3A_22 : memref<8xi32, #tpu.memory_space<vmem>>) semaphore(%arg9 : memref<!tpu.dma_semaphore, #tpu.memory_space<semaphore_mem>>)
    %dma_start3A_26 = arith.constant 2 : i32
    %dma_start3A_27 = arith.constant 2 : i32
    %dma_start3A_28 = arith.constant 0 : i32
    %dma_start3A_29 = arith.constant 0 : i32
    %dma_start3A_30 = tpu.memref_slice %arg6[%dma_start3A_27, %dma_start3A_28, %dma_start3A_29] : memref<3x8x4096xf32, #tpu.memory_space<vmem>> -> memref<1x8x4096xf32, #tpu.memory_space<vmem>>
    %dma_start3A_31 = tpu.memref_squeeze %dma_start3A_30 : memref<1x8x4096xf32, #tpu.memory_space<vmem>> -> memref<8x4096xf32, #tpu.memory_space<vmem>>
    %dma_start3A_32 = arith.constant 0 : i32
    %dma_start3A_33 = tpu.memref_slice %arg5[%dma_start3A_26, %dma_start3A_32] : memref<8x8xi32, #tpu.memory_space<vmem>> -> memref<1x8xi32, #tpu.memory_space<vmem>>
    %dma_start3A_34 = tpu.memref_squeeze %dma_start3A_33 : memref<1x8xi32, #tpu.memory_space<vmem>> -> memref<8xi32, #tpu.memory_space<vmem>>
    %dma_start3A_35 = arith.constant 0 : i32
    %dma_start3A_36 = arith.constant 0 : i32
    %dma_start3A_37 = tpu.memref_slice %arg3[%dma_start3A_35, %dma_start3A_36] : memref<32768x4096xf32, #tpu.memory_space<hbm>> -> memref<32768x4096xf32, #tpu.memory_space<hbm>>
    tpu.enqueue_indirect_dma source(%dma_start3A_37 : memref<32768x4096xf32, #tpu.memory_space<hbm>>) target(%dma_start3A_31 : memref<8x4096xf32, #tpu.memory_space<vmem>>) offsets(%dma_start3A_34 : memref<8xi32, #tpu.memory_space<vmem>>) semaphore(%arg10 : memref<!tpu.dma_semaphore, #tpu.memory_space<semaphore_mem>>)
    %dma_wait3A = arith.constant 0 : i32
    %dma_wait3A_38 = arith.constant 0 : i32
    %dma_wait3A_39 = arith.constant 0 : i32
    %dma_wait3A_40 = arith.constant 0 : i32
    %dma_wait3A_41 = tpu.memref_slice %arg6[%dma_wait3A_38, %dma_wait3A_39, %dma_wait3A_40] : memref<3x8x4096xf32, #tpu.memory_space<vmem>> -> memref<1x8x4096xf32, #tpu.memory_space<vmem>>
    %dma_wait3A_42 = tpu.memref_squeeze %dma_wait3A_41 : memref<1x8x4096xf32, #tpu.memory_space<vmem>> -> memref<8x4096xf32, #tpu.memory_space<vmem>>
    %dma_wait3A_43 = arith.constant 0 : i32
    %dma_wait3A_44 = tpu.memref_slice %arg5[%dma_wait3A, %dma_wait3A_43] : memref<8x8xi32, #tpu.memory_space<vmem>> -> memref<1x8xi32, #tpu.memory_space<vmem>>
    %dma_wait3A_45 = tpu.memref_squeeze %dma_wait3A_44 : memref<1x8xi32, #tpu.memory_space<vmem>> -> memref<8xi32, #tpu.memory_space<vmem>>
    %dma_wait3A_46 = arith.constant 0 : i32
    %dma_wait3A_47 = arith.constant 0 : i32
    %dma_wait3A_48 = tpu.memref_slice %arg3[%dma_wait3A_46, %dma_wait3A_47] : memref<32768x4096xf32, #tpu.memory_space<hbm>> -> memref<32768x4096xf32, #tpu.memory_space<hbm>>
    tpu.wait_indirect_dma semaphore(%arg8 : memref<!tpu.dma_semaphore, #tpu.memory_space<semaphore_mem>>) src(%dma_wait3A_48 : memref<32768x4096xf32, #tpu.memory_space<hbm>>) dst(%dma_wait3A_42 : memref<8x4096xf32, #tpu.memory_space<vmem>>)
    %dma_start3A_49 = arith.constant 3 : i32
    %dma_start3A_50 = arith.constant 0 : i32
    %dma_start3A_51 = arith.constant 0 : i32
    %dma_start3A_52 = arith.constant 0 : i32
    %dma_start3A_53 = tpu.memref_slice %arg6[%dma_start3A_50, %dma_start3A_51, %dma_start3A_52] : memref<3x8x4096xf32, #tpu.memory_space<vmem>> -> memref<1x8x4096xf32, #tpu.memory_space<vmem>>
    %dma_start3A_54 = tpu.memref_squeeze %dma_start3A_53 : memref<1x8x4096xf32, #tpu.memory_space<vmem>> -> memref<8x4096xf32, #tpu.memory_space<vmem>>
    %dma_start3A_55 = arith.constant 0 : i32
    %dma_start3A_56 = tpu.memref_slice %arg5[%dma_start3A_49, %dma_start3A_55] : memref<8x8xi32, #tpu.memory_space<vmem>> -> memref<1x8xi32, #tpu.memory_space<vmem>>
    %dma_start3A_57 = tpu.memref_squeeze %dma_start3A_56 : memref<1x8xi32, #tpu.memory_space<vmem>> -> memref<8xi32, #tpu.memory_space<vmem>>
    %dma_start3A_58 = arith.constant 0 : i32
    %dma_start3A_59 = arith.constant 0 : i32
    %dma_start3A_60 = tpu.memref_slice %arg3[%dma_start3A_58, %dma_start3A_59] : memref<32768x4096xf32, #tpu.memory_space<hbm>> -> memref<32768x4096xf32, #tpu.memory_space<hbm>>
    tpu.enqueue_indirect_dma source(%dma_start3A_60 : memref<32768x4096xf32, #tpu.memory_space<hbm>>) target(%dma_start3A_54 : memref<8x4096xf32, #tpu.memory_space<vmem>>) offsets(%dma_start3A_57 : memref<8xi32, #tpu.memory_space<vmem>>) semaphore(%arg8 : memref<!tpu.dma_semaphore, #tpu.memory_space<semaphore_mem>>)
    %dma_wait3A_61 = arith.constant 1 : i32
    %dma_wait3A_62 = arith.constant 1 : i32
    %dma_wait3A_63 = arith.constant 0 : i32
    %dma_wait3A_64 = arith.constant 0 : i32
    %dma_wait3A_65 = tpu.memref_slice %arg6[%dma_wait3A_62, %dma_wait3A_63, %dma_wait3A_64] : memref<3x8x4096xf32, #tpu.memory_space<vmem>> -> memref<1x8x4096xf32, #tpu.memory_space<vmem>>
    %dma_wait3A_66 = tpu.memref_squeeze %dma_wait3A_65 : memref<1x8x4096xf32, #tpu.memory_space<vmem>> -> memref<8x4096xf32, #tpu.memory_space<vmem>>
    %dma_wait3A_67 = arith.constant 0 : i32
    %dma_wait3A_68 = tpu.memref_slice %arg5[%dma_wait3A_61, %dma_wait3A_67] : memref<8x8xi32, #tpu.memory_space<vmem>> -> memref<1x8xi32, #tpu.memory_space<vmem>>
    %dma_wait3A_69 = tpu.memref_squeeze %dma_wait3A_68 : memref<1x8xi32, #tpu.memory_space<vmem>> -> memref<8xi32, #tpu.memory_space<vmem>>
    %dma_wait3A_70 = arith.constant 0 : i32
    %dma_wait3A_71 = arith.constant 0 : i32
    %dma_wait3A_72 = tpu.memref_slice %arg3[%dma_wait3A_70, %dma_wait3A_71] : memref<32768x4096xf32, #tpu.memory_space<hbm>> -> memref<32768x4096xf32, #tpu.memory_space<hbm>>
    tpu.wait_indirect_dma semaphore(%arg9 : memref<!tpu.dma_semaphore, #tpu.memory_space<semaphore_mem>>) src(%dma_wait3A_72 : memref<32768x4096xf32, #tpu.memory_space<hbm>>) dst(%dma_wait3A_66 : memref<8x4096xf32, #tpu.memory_space<vmem>>)
    %dma_start3A_73 = arith.constant 4 : i32
    %dma_start3A_74 = arith.constant 1 : i32
    %dma_start3A_75 = arith.constant 0 : i32
    %dma_start3A_76 = arith.constant 0 : i32
    %dma_start3A_77 = tpu.memref_slice %arg6[%dma_start3A_74, %dma_start3A_75, %dma_start3A_76] : memref<3x8x4096xf32, #tpu.memory_space<vmem>> -> memref<1x8x4096xf32, #tpu.memory_space<vmem>>
    %dma_start3A_78 = tpu.memref_squeeze %dma_start3A_77 : memref<1x8x4096xf32, #tpu.memory_space<vmem>> -> memref<8x4096xf32, #tpu.memory_space<vmem>>
    %dma_start3A_79 = arith.constant 0 : i32
    %dma_start3A_80 = tpu.memref_slice %arg5[%dma_start3A_73, %dma_start3A_79] : memref<8x8xi32, #tpu.memory_space<vmem>> -> memref<1x8xi32, #tpu.memory_space<vmem>>
    %dma_start3A_81 = tpu.memref_squeeze %dma_start3A_80 : memref<1x8xi32, #tpu.memory_space<vmem>> -> memref<8xi32, #tpu.memory_space<vmem>>
    %dma_start3A_82 = arith.constant 0 : i32
    %dma_start3A_83 = arith.constant 0 : i32
    %dma_start3A_84 = tpu.memref_slice %arg3[%dma_start3A_82, %dma_start3A_83] : memref<32768x4096xf32, #tpu.memory_space<hbm>> -> memref<32768x4096xf32, #tpu.memory_space<hbm>>
    tpu.enqueue_indirect_dma source(%dma_start3A_84 : memref<32768x4096xf32, #tpu.memory_space<hbm>>) target(%dma_start3A_78 : memref<8x4096xf32, #tpu.memory_space<vmem>>) offsets(%dma_start3A_81 : memref<8xi32, #tpu.memory_space<vmem>>) semaphore(%arg9 : memref<!tpu.dma_semaphore, #tpu.memory_space<semaphore_mem>>)
    %dma_wait3A_85 = arith.constant 2 : i32
    %dma_wait3A_86 = arith.constant 2 : i32
    %dma_wait3A_87 = arith.constant 0 : i32
    %dma_wait3A_88 = arith.constant 0 : i32
    %dma_wait3A_89 = tpu.memref_slice %arg6[%dma_wait3A_86, %dma_wait3A_87, %dma_wait3A_88] : memref<3x8x4096xf32, #tpu.memory_space<vmem>> -> memref<1x8x4096xf32, #tpu.memory_space<vmem>>
    %dma_wait3A_90 = tpu.memref_squeeze %dma_wait3A_89 : memref<1x8x4096xf32, #tpu.memory_space<vmem>> -> memref<8x4096xf32, #tpu.memory_space<vmem>>
    %dma_wait3A_91 = arith.constant 0 : i32
    %dma_wait3A_92 = tpu.memref_slice %arg5[%dma_wait3A_85, %dma_wait3A_91] : memref<8x8xi32, #tpu.memory_space<vmem>> -> memref<1x8xi32, #tpu.memory_space<vmem>>
    %dma_wait3A_93 = tpu.memref_squeeze %dma_wait3A_92 : memref<1x8xi32, #tpu.memory_space<vmem>> -> memref<8xi32, #tpu.memory_space<vmem>>
    %dma_wait3A_94 = arith.constant 0 : i32
    %dma_wait3A_95 = arith.constant 0 : i32
    %dma_wait3A_96 = tpu.memref_slice %arg3[%dma_wait3A_94, %dma_wait3A_95] : memref<32768x4096xf32, #tpu.memory_space<hbm>> -> memref<32768x4096xf32, #tpu.memory_space<hbm>>
    tpu.wait_indirect_dma semaphore(%arg10 : memref<!tpu.dma_semaphore, #tpu.memory_space<semaphore_mem>>) src(%dma_wait3A_96 : memref<32768x4096xf32, #tpu.memory_space<hbm>>) dst(%dma_wait3A_90 : memref<8x4096xf32, #tpu.memory_space<vmem>>)
    %dma_start3A_97 = arith.constant 5 : i32
    %dma_start3A_98 = arith.constant 2 : i32
    %dma_start3A_99 = arith.constant 0 : i32
    %dma_start3A_100 = arith.constant 0 : i32
    %dma_start3A_101 = tpu.memref_slice %arg6[%dma_start3A_98, %dma_start3A_99, %dma_start3A_100] : memref<3x8x4096xf32, #tpu.memory_space<vmem>> -> memref<1x8x4096xf32, #tpu.memory_space<vmem>>
    %dma_start3A_102 = tpu.memref_squeeze %dma_start3A_101 : memref<1x8x4096xf32, #tpu.memory_space<vmem>> -> memref<8x4096xf32, #tpu.memory_space<vmem>>
    %dma_start3A_103 = arith.constant 0 : i32
    %dma_start3A_104 = tpu.memref_slice %arg5[%dma_start3A_97, %dma_start3A_103] : memref<8x8xi32, #tpu.memory_space<vmem>> -> memref<1x8xi32, #tpu.memory_space<vmem>>
    %dma_start3A_105 = tpu.memref_squeeze %dma_start3A_104 : memref<1x8xi32, #tpu.memory_space<vmem>> -> memref<8xi32, #tpu.memory_space<vmem>>
    %dma_start3A_106 = arith.constant 0 : i32
    %dma_start3A_107 = arith.constant 0 : i32
    %dma_start3A_108 = tpu.memref_slice %arg3[%dma_start3A_106, %dma_start3A_107] : memref<32768x4096xf32, #tpu.memory_space<hbm>> -> memref<32768x4096xf32, #tpu.memory_space<hbm>>
    tpu.enqueue_indirect_dma source(%dma_start3A_108 : memref<32768x4096xf32, #tpu.memory_space<hbm>>) target(%dma_start3A_102 : memref<8x4096xf32, #tpu.memory_space<vmem>>) offsets(%dma_start3A_105 : memref<8xi32, #tpu.memory_space<vmem>>) semaphore(%arg10 : memref<!tpu.dma_semaphore, #tpu.memory_space<semaphore_mem>>)
    %dma_wait3A_109 = arith.constant 3 : i32
    %dma_wait3A_110 = arith.constant 0 : i32
    %dma_wait3A_111 = arith.constant 0 : i32
    %dma_wait3A_112 = arith.constant 0 : i32
    %dma_wait3A_113 = tpu.memref_slice %arg6[%dma_wait3A_110, %dma_wait3A_111, %dma_wait3A_112] : memref<3x8x4096xf32, #tpu.memory_space<vmem>> -> memref<1x8x4096xf32, #tpu.memory_space<vmem>>
    %dma_wait3A_114 = tpu.memref_squeeze %dma_wait3A_113 : memref<1x8x4096xf32, #tpu.memory_space<vmem>> -> memref<8x4096xf32, #tpu.memory_space<vmem>>
    %dma_wait3A_115 = arith.constant 0 : i32
    %dma_wait3A_116 = tpu.memref_slice %arg5[%dma_wait3A_109, %dma_wait3A_115] : memref<8x8xi32, #tpu.memory_space<vmem>> -> memref<1x8xi32, #tpu.memory_space<vmem>>
    %dma_wait3A_117 = tpu.memref_squeeze %dma_wait3A_116 : memref<1x8xi32, #tpu.memory_space<vmem>> -> memref<8xi32, #tpu.memory_space<vmem>>
    %dma_wait3A_118 = arith.constant 0 : i32
    %dma_wait3A_119 = arith.constant 0 : i32
    %dma_wait3A_120 = tpu.memref_slice %arg3[%dma_wait3A_118, %dma_wait3A_119] : memref<32768x4096xf32, #tpu.memory_space<hbm>> -> memref<32768x4096xf32, #tpu.memory_space<hbm>>
    tpu.wait_indirect_dma semaphore(%arg8 : memref<!tpu.dma_semaphore, #tpu.memory_space<semaphore_mem>>) src(%dma_wait3A_120 : memref<32768x4096xf32, #tpu.memory_space<hbm>>) dst(%dma_wait3A_114 : memref<8x4096xf32, #tpu.memory_space<vmem>>)
    %dma_start3A_121 = arith.constant 6 : i32
    %dma_start3A_122 = arith.constant 0 : i32
    %dma_start3A_123 = arith.constant 0 : i32
    %dma_start3A_124 = arith.constant 0 : i32
    %dma_start3A_125 = tpu.memref_slice %arg6[%dma_start3A_122, %dma_start3A_123, %dma_start3A_124] : memref<3x8x4096xf32, #tpu.memory_space<vmem>> -> memref<1x8x4096xf32, #tpu.memory_space<vmem>>
    %dma_start3A_126 = tpu.memref_squeeze %dma_start3A_125 : memref<1x8x4096xf32, #tpu.memory_space<vmem>> -> memref<8x4096xf32, #tpu.memory_space<vmem>>
    %dma_start3A_127 = arith.constant 0 : i32
    %dma_start3A_128 = tpu.memref_slice %arg5[%dma_start3A_121, %dma_start3A_127] : memref<8x8xi32, #tpu.memory_space<vmem>> -> memref<1x8xi32, #tpu.memory_space<vmem>>
    %dma_start3A_129 = tpu.memref_squeeze %dma_start3A_128 : memref<1x8xi32, #tpu.memory_space<vmem>> -> memref<8xi32, #tpu.memory_space<vmem>>
    %dma_start3A_130 = arith.constant 0 : i32
    %dma_start3A_131 = arith.constant 0 : i32
    %dma_start3A_132 = tpu.memref_slice %arg3[%dma_start3A_130, %dma_start3A_131] : memref<32768x4096xf32, #tpu.memory_space<hbm>> -> memref<32768x4096xf32, #tpu.memory_space<hbm>>
    tpu.enqueue_indirect_dma source(%dma_start3A_132 : memref<32768x4096xf32, #tpu.memory_space<hbm>>) target(%dma_start3A_126 : memref<8x4096xf32, #tpu.memory_space<vmem>>) offsets(%dma_start3A_129 : memref<8xi32, #tpu.memory_space<vmem>>) semaphore(%arg8 : memref<!tpu.dma_semaphore, #tpu.memory_space<semaphore_mem>>)
    %dma_wait3A_133 = arith.constant 4 : i32
    %dma_wait3A_134 = arith.constant 1 : i32
    %dma_wait3A_135 = arith.constant 0 : i32
    %dma_wait3A_136 = arith.constant 0 : i32
    %dma_wait3A_137 = tpu.memref_slice %arg6[%dma_wait3A_134, %dma_wait3A_135, %dma_wait3A_136] : memref<3x8x4096xf32, #tpu.memory_space<vmem>> -> memref<1x8x4096xf32, #tpu.memory_space<vmem>>
    %dma_wait3A_138 = tpu.memref_squeeze %dma_wait3A_137 : memref<1x8x4096xf32, #tpu.memory_space<vmem>> -> memref<8x4096xf32, #tpu.memory_space<vmem>>
    %dma_wait3A_139 = arith.constant 0 : i32
    %dma_wait3A_140 = tpu.memref_slice %arg5[%dma_wait3A_133, %dma_wait3A_139] : memref<8x8xi32, #tpu.memory_space<vmem>> -> memref<1x8xi32, #tpu.memory_space<vmem>>
    %dma_wait3A_141 = tpu.memref_squeeze %dma_wait3A_140 : memref<1x8xi32, #tpu.memory_space<vmem>> -> memref<8xi32, #tpu.memory_space<vmem>>
    %dma_wait3A_142 = arith.constant 0 : i32
    %dma_wait3A_143 = arith.constant 0 : i32
    %dma_wait3A_144 = tpu.memref_slice %arg3[%dma_wait3A_142, %dma_wait3A_143] : memref<32768x4096xf32, #tpu.memory_space<hbm>> -> memref<32768x4096xf32, #tpu.memory_space<hbm>>
    tpu.wait_indirect_dma semaphore(%arg9 : memref<!tpu.dma_semaphore, #tpu.memory_space<semaphore_mem>>) src(%dma_wait3A_144 : memref<32768x4096xf32, #tpu.memory_space<hbm>>) dst(%dma_wait3A_138 : memref<8x4096xf32, #tpu.memory_space<vmem>>)
    %dma_start3A_145 = arith.constant 7 : i32
    %dma_start3A_146 = arith.constant 1 : i32
    %dma_start3A_147 = arith.constant 0 : i32
    %dma_start3A_148 = arith.constant 0 : i32
    %dma_start3A_149 = tpu.memref_slice %arg6[%dma_start3A_146, %dma_start3A_147, %dma_start3A_148] : memref<3x8x4096xf32, #tpu.memory_space<vmem>> -> memref<1x8x4096xf32, #tpu.memory_space<vmem>>
    %dma_start3A_150 = tpu.memref_squeeze %dma_start3A_149 : memref<1x8x4096xf32, #tpu.memory_space<vmem>> -> memref<8x4096xf32, #tpu.memory_space<vmem>>
    %dma_start3A_151 = arith.constant 0 : i32
    %dma_start3A_152 = tpu.memref_slice %arg5[%dma_start3A_145, %dma_start3A_151] : memref<8x8xi32, #tpu.memory_space<vmem>> -> memref<1x8xi32, #tpu.memory_space<vmem>>
    %dma_start3A_153 = tpu.memref_squeeze %dma_start3A_152 : memref<1x8xi32, #tpu.memory_space<vmem>> -> memref<8xi32, #tpu.memory_space<vmem>>
    %dma_start3A_154 = arith.constant 0 : i32
    %dma_start3A_155 = arith.constant 0 : i32
    %dma_start3A_156 = tpu.memref_slice %arg3[%dma_start3A_154, %dma_start3A_155] : memref<32768x4096xf32, #tpu.memory_space<hbm>> -> memref<32768x4096xf32, #tpu.memory_space<hbm>>
    tpu.enqueue_indirect_dma source(%dma_start3A_156 : memref<32768x4096xf32, #tpu.memory_space<hbm>>) target(%dma_start3A_150 : memref<8x4096xf32, #tpu.memory_space<vmem>>) offsets(%dma_start3A_153 : memref<8xi32, #tpu.memory_space<vmem>>) semaphore(%arg9 : memref<!tpu.dma_semaphore, #tpu.memory_space<semaphore_mem>>)
    %dma_wait3A_157 = arith.constant 5 : i32
    %dma_wait3A_158 = arith.constant 2 : i32
    %dma_wait3A_159 = arith.constant 0 : i32
    %dma_wait3A_160 = arith.constant 0 : i32
    %dma_wait3A_161 = tpu.memref_slice %arg6[%dma_wait3A_158, %dma_wait3A_159, %dma_wait3A_160] : memref<3x8x4096xf32, #tpu.memory_space<vmem>> -> memref<1x8x4096xf32, #tpu.memory_space<vmem>>
    %dma_wait3A_162 = tpu.memref_squeeze %dma_wait3A_161 : memref<1x8x4096xf32, #tpu.memory_space<vmem>> -> memref<8x4096xf32, #tpu.memory_space<vmem>>
    %dma_wait3A_163 = arith.constant 0 : i32
    %dma_wait3A_164 = tpu.memref_slice %arg5[%dma_wait3A_157, %dma_wait3A_163] : memref<8x8xi32, #tpu.memory_space<vmem>> -> memref<1x8xi32, #tpu.memory_space<vmem>>
    %dma_wait3A_165 = tpu.memref_squeeze %dma_wait3A_164 : memref<1x8xi32, #tpu.memory_space<vmem>> -> memref<8xi32, #tpu.memory_space<vmem>>
    %dma_wait3A_166 = arith.constant 0 : i32
    %dma_wait3A_167 = arith.constant 0 : i32
    %dma_wait3A_168 = tpu.memref_slice %arg3[%dma_wait3A_166, %dma_wait3A_167] : memref<32768x4096xf32, #tpu.memory_space<hbm>> -> memref<32768x4096xf32, #tpu.memory_space<hbm>>
    tpu.wait_indirect_dma semaphore(%arg10 : memref<!tpu.dma_semaphore, #tpu.memory_space<semaphore_mem>>) src(%dma_wait3A_168 : memref<32768x4096xf32, #tpu.memory_space<hbm>>) dst(%dma_wait3A_162 : memref<8x4096xf32, #tpu.memory_space<vmem>>)
    %dma_wait3A_169 = arith.constant 6 : i32
    %dma_wait3A_170 = arith.constant 0 : i32
    %dma_wait3A_171 = arith.constant 0 : i32
    %dma_wait3A_172 = arith.constant 0 : i32
    %dma_wait3A_173 = tpu.memref_slice %arg6[%dma_wait3A_170, %dma_wait3A_171, %dma_wait3A_172] : memref<3x8x4096xf32, #tpu.memory_space<vmem>> -> memref<1x8x4096xf32, #tpu.memory_space<vmem>>
    %dma_wait3A_174 = tpu.memref_squeeze %dma_wait3A_173 : memref<1x8x4096xf32, #tpu.memory_space<vmem>> -> memref<8x4096xf32, #tpu.memory_space<vmem>>
    %dma_wait3A_175 = arith.constant 0 : i32
    %dma_wait3A_176 = tpu.memref_slice %arg5[%dma_wait3A_169, %dma_wait3A_175] : memref<8x8xi32, #tpu.memory_space<vmem>> -> memref<1x8xi32, #tpu.memory_space<vmem>>
    %dma_wait3A_177 = tpu.memref_squeeze %dma_wait3A_176 : memref<1x8xi32, #tpu.memory_space<vmem>> -> memref<8xi32, #tpu.memory_space<vmem>>
    %dma_wait3A_178 = arith.constant 0 : i32
    %dma_wait3A_179 = arith.constant 0 : i32
    %dma_wait3A_180 = tpu.memref_slice %arg3[%dma_wait3A_178, %dma_wait3A_179] : memref<32768x4096xf32, #tpu.memory_space<hbm>> -> memref<32768x4096xf32, #tpu.memory_space<hbm>>
    tpu.wait_indirect_dma semaphore(%arg8 : memref<!tpu.dma_semaphore, #tpu.memory_space<semaphore_mem>>) src(%dma_wait3A_180 : memref<32768x4096xf32, #tpu.memory_space<hbm>>) dst(%dma_wait3A_174 : memref<8x4096xf32, #tpu.memory_space<vmem>>)
    %dma_wait3A_181 = arith.constant 7 : i32
    %dma_wait3A_182 = arith.constant 1 : i32
    %dma_wait3A_183 = arith.constant 0 : i32
    %dma_wait3A_184 = arith.constant 0 : i32
    %dma_wait3A_185 = tpu.memref_slice %arg6[%dma_wait3A_182, %dma_wait3A_183, %dma_wait3A_184] : memref<3x8x4096xf32, #tpu.memory_space<vmem>> -> memref<1x8x4096xf32, #tpu.memory_space<vmem>>
    %dma_wait3A_186 = tpu.memref_squeeze %dma_wait3A_185 : memref<1x8x4096xf32, #tpu.memory_space<vmem>> -> memref<8x4096xf32, #tpu.memory_space<vmem>>
    %dma_wait3A_187 = arith.constant 0 : i32
    %dma_wait3A_188 = tpu.memref_slice %arg5[%dma_wait3A_181, %dma_wait3A_187] : memref<8x8xi32, #tpu.memory_space<vmem>> -> memref<1x8xi32, #tpu.memory_space<vmem>>
    %dma_wait3A_189 = tpu.memref_squeeze %dma_wait3A_188 : memref<1x8xi32, #tpu.memory_space<vmem>> -> memref<8xi32, #tpu.memory_space<vmem>>
    %dma_wait3A_190 = arith.constant 0 : i32
    %dma_wait3A_191 = arith.constant 0 : i32
    %dma_wait3A_192 = tpu.memref_slice %arg3[%dma_wait3A_190, %dma_wait3A_191] : memref<32768x4096xf32, #tpu.memory_space<hbm>> -> memref<32768x4096xf32, #tpu.memory_space<hbm>>
    tpu.wait_indirect_dma semaphore(%arg9 : memref<!tpu.dma_semaphore, #tpu.memory_space<semaphore_mem>>) src(%dma_wait3A_192 : memref<32768x4096xf32, #tpu.memory_space<hbm>>) dst(%dma_wait3A_186 : memref<8x4096xf32, #tpu.memory_space<vmem>>)
    "tpu.region"() ({
      %run_scoped3A = tpu.sem_alloc : memref<!tpu.dma_semaphore, #tpu.memory_space<semaphore_mem>>
      %dma_start3A_193 = arith.constant 0 : i32
      %dma_start3A_194 = tpu.memref_slice %arg4[%add3A, %dma_start3A_193] : memref<32x4096xf32, #tpu.memory_space<hbm>> -> memref<1x4096xf32, #tpu.memory_space<hbm>>
      %dma_start3A_195 = tpu.memref_squeeze %dma_start3A_194 : memref<1x4096xf32, #tpu.memory_space<hbm>> -> memref<4096xf32, #tpu.memory_space<hbm>>
      %dma_start3A_196 = arith.constant 0 : i32
      %dma_start3A_197 = tpu.memref_slice %arg4[%add3A, %dma_start3A_196] : memref<32x4096xf32, #tpu.memory_space<hbm>> -> memref<1x4096xf32, #tpu.memory_space<hbm>>
      %dma_start3A_198 = tpu.memref_squeeze %dma_start3A_197 : memref<1x4096xf32, #tpu.memory_space<hbm>> -> memref<4096xf32, #tpu.memory_space<hbm>>
      tpu.enqueue_dma source(%arg7 : memref<4096xf32, #tpu.memory_space<vmem>>) target(%dma_start3A_198 : memref<4096xf32, #tpu.memory_space<hbm>>) target_semaphore(%run_scoped3A : memref<!tpu.dma_semaphore, #tpu.memory_space<semaphore_mem>>)
      %dma_wait3A_199 = arith.constant 0 : i32
      %dma_wait3A_200 = tpu.memref_slice %arg4[%add3A, %dma_wait3A_199] : memref<32x4096xf32, #tpu.memory_space<hbm>> -> memref<1x4096xf32, #tpu.memory_space<hbm>>
      %dma_wait3A_201 = tpu.memref_squeeze %dma_wait3A_200 : memref<1x4096xf32, #tpu.memory_space<hbm>> -> memref<4096xf32, #tpu.memory_space<hbm>>
      %dma_wait3A_202 = arith.constant 0 : i32
      %dma_wait3A_203 = tpu.memref_slice %arg4[%add3A, %dma_wait3A_202] : memref<32x4096xf32, #tpu.memory_space<hbm>> -> memref<1x4096xf32, #tpu.memory_space<hbm>>
      %dma_wait3A_204 = tpu.memref_squeeze %dma_wait3A_203 : memref<1x4096xf32, #tpu.memory_space<hbm>> -> memref<4096xf32, #tpu.memory_space<hbm>>
      tpu.wait_dma2 semaphore(%run_scoped3A : memref<!tpu.dma_semaphore, #tpu.memory_space<semaphore_mem>>) src(%arg7 : memref<4096xf32, #tpu.memory_space<vmem>>) dst(%dma_wait3A_204 : memref<4096xf32, #tpu.memory_space<hbm>>)
      tpu.yield
    }) : () -> ()
    return
  }
}

module attributes {stable_mosaic.version = 14 : i64} {
  func.func @_score_body(%arg0: i32, %arg1: memref<1xi32, #tpu.memory_space<smem>>, %arg2: memref<32x4096xf32, #tpu.memory_space<vmem>>, %arg3: memref<8x4096xf32, #tpu.memory_space<vmem>>, %arg4: memref<512x4096xf32, #tpu.memory_space<vmem>>, %arg5: memref<1x4096xf32, #tpu.memory_space<vmem>>, %arg6: memref<1x1xf32, #tpu.memory_space<vmem>>, %arg7: memref<1x4096xf32, #tpu.memory_space<vmem>>, %arg8: memref<1xf32, #tpu.memory_space<smem>>) attributes {dimension_semantics = [#tpu.dimension_semantics<arbitrary>], iteration_bounds = array<i64: 2>, scalar_prefetch = 1 : i64, scratch_operands = 2 : i64, tpu.core_type = #tpu.core_type<tc>, window_params = [{pipeline_mode = #tpu.pipeline_mode<synchronous>, transform_indices = @transform_0, window_bounds = array<i64: 32, 4096>}, {transform_indices = @transform_1, window_bounds = array<i64: 8, 4096>}, {transform_indices = @transform_2, window_bounds = array<i64: 512, 4096>}, {pipeline_mode = #tpu.pipeline_mode<synchronous>, transform_indices = @transform_3, window_bounds = array<i64: 1, 4096>}, {pipeline_mode = #tpu.pipeline_mode<synchronous>, transform_indices = @transform_4, window_bounds = array<i64: 1, 1>}]} {
    %eq3A = arith.constant 0 : i32
    %eq3A_0 = arith.cmpi eq, %arg0, %eq3A : i32
    %convert_element_type3A = arith.extui %eq3A_0 : i1 to i32
    %cond3A = arith.constant 0 : i32
    %cond3A_1 = arith.cmpi ne, %convert_element_type3A, %cond3A : i32
    scf.if %cond3A_1 {
      %get3A_26 = arith.constant 0 : index
      %get3A_27 = memref.load %arg1[%get3A_26] : memref<1xi32, #tpu.memory_space<smem>>
      %jit3A = arith.constant 8 : i32
      %eq3A_28 = arith.constant 0 : i32
      %eq3A_29 = arith.cmpi eq, %jit3A, %eq3A_28 : i32
      %jit3A_30 = arith.constant 1 : i32
      %select_n3A = arith.select %eq3A_29, %jit3A_30, %jit3A : i32
      %rem3A = arith.remsi %get3A_27, %select_n3A : i32
      %ne3A = arith.constant 0 : i32
      %ne3A_31 = arith.cmpi ne, %rem3A, %ne3A : i32
      %lt3A = arith.constant 0 : i32
      %lt3A_32 = arith.cmpi slt, %rem3A, %lt3A : i32
      %lt3A_33 = arith.constant 0 : i32
      %lt3A_34 = arith.cmpi slt, %select_n3A, %lt3A_33 : i32
      %ne3A_35 = arith.xori %lt3A_32, %lt3A_34 : i1
      %and3A = arith.andi %ne3A_35, %ne3A_31 : i1
      %add3A = arith.addi %rem3A, %select_n3A : i32
      %select_n3A_36 = arith.select %and3A, %add3A, %rem3A : i32
      %iota3A = tpu.iota {dimensions = array<i32: 0>} : vector<8x1xi32>
      %eq3A_37 = vector.broadcast %select_n3A_36 : i32 to vector<8x1xi32>
      %eq3A_38 = arith.cmpi eq, %iota3A, %eq3A_37 : vector<8x1xi32>
      %get3A_39 = arith.constant 0 : index
      %get3A_40 = arith.constant 0 : index
      %get3A_41 = vector.load %arg3[%get3A_39, %get3A_40] : memref<8x4096xf32, #tpu.memory_space<vmem>>, vector<8x4096xf32>
      %jit3A_42 = arith.constant 0.000000e+00 : f32
      %broadcast_in_dim3A_43 = vector.shape_cast %eq3A_38 : vector<8x1xi1> to vector<8x1xi1>
      %broadcast_in_dim3A_44 = vector.broadcast %broadcast_in_dim3A_43 : vector<8x1xi1> to vector<8x4096xi1>
      %broadcast_in_dim3A_45 = vector.broadcast %jit3A_42 : f32 to vector<8x4096xf32>
      %select_n3A_46 = arith.select %broadcast_in_dim3A_44, %get3A_41, %broadcast_in_dim3A_45 : vector<8x4096xi1>, vector<8x4096xf32>
      %reduce_sum3A = arith.constant dense<0.000000e+00> : vector<4096xf32>
      %reduce_sum3A_47 = vector.multi_reduction <add>, %select_n3A_46, %reduce_sum3A [0] : vector<8x4096xf32> to vector<4096xf32>
      %broadcast_in_dim3A_48 = vector.shape_cast %reduce_sum3A_47 : vector<4096xf32> to vector<1x4096xf32>
      %get3A_49 = arith.constant 0 : index
      %get3A_50 = arith.constant 0 : index
      %get3A_51 = vector.load %arg2[%get3A_49, %get3A_50] : memref<32x4096xf32, #tpu.memory_space<vmem>>, vector<32x4096xf32>
      %reduce_sum3A_52 = arith.constant dense<0.000000e+00> : vector<4096xf32>
      %reduce_sum3A_53 = vector.multi_reduction <add>, %get3A_51, %reduce_sum3A_52 [0] : vector<32x4096xf32> to vector<4096xf32>
      %broadcast_in_dim3A_54 = vector.shape_cast %reduce_sum3A_53 : vector<4096xf32> to vector<1x4096xf32>
      %add3A_55 = arith.addf %broadcast_in_dim3A_54, %broadcast_in_dim3A_48 : vector<1x4096xf32>
      %mul3A_56 = arith.constant 4.88042948E-4 : f32
      %mul3A_57 = vector.broadcast %mul3A_56 : f32 to vector<1x4096xf32>
      %mul3A_58 = arith.mulf %add3A_55, %mul3A_57 : vector<1x4096xf32>
      %swap3A_59 = arith.constant 0 : index
      %swap3A_60 = arith.constant 0 : index
      %swap3A_61 = vector.load %arg7[%swap3A_59, %swap3A_60] : memref<1x4096xf32, #tpu.memory_space<vmem>>, vector<1x4096xf32>
      tpu.vector_store %arg7[%swap3A_59, %swap3A_60], %mul3A_58 {strides = array<i32>} : memref<1x4096xf32, #tpu.memory_space<vmem>>, vector<1x4096xf32>,
      %swap3A_62 = arith.constant 0x7F800000 : f32
      %swap3A_63 = arith.constant 0 : index
      %swap3A_64 = memref.load %arg8[%swap3A_63] : memref<1xf32, #tpu.memory_space<smem>>
      memref.store %swap3A_62, %arg8[%swap3A_63] : memref<1xf32, #tpu.memory_space<smem>>
    } else {
    }
    %get3A = arith.constant 0 : index
    %get3A_2 = arith.constant 0 : index
    %get3A_3 = vector.load %arg7[%get3A, %get3A_2] : memref<1x4096xf32, #tpu.memory_space<vmem>>, vector<1x4096xf32>
    %get3A_4 = arith.constant 0 : index
    %get3A_5 = arith.constant 0 : index
    %get3A_6 = vector.load %arg4[%get3A_4, %get3A_5] : memref<512x4096xf32, #tpu.memory_space<vmem>>, vector<512x4096xf32>
    %broadcast_in_dim3A = arith.constant 1.000000e+00 : f32
    %broadcast_in_dim3A_7 = vector.broadcast %broadcast_in_dim3A : f32 to vector<1x4096xf32>
    %mul3A = arith.mulf %get3A_6, %get3A_6 : vector<512x4096xf32>
    %dot_general3A = arith.constant dense<0.000000e+00> : vector<512x1xf32>
    %dot_general3A_8 = tpu.matmul %mul3A, %broadcast_in_dim3A_7, %dot_general3A {dimension_numbers = #tpu.dot_dimension_numbers<[1], [1], [0], [0], [0, 0, 1, 0], [], []>, precision = #tpu.contract_precision<fp32>, transpose_lhs_hint = false} : vector<512x4096xf32>, vector<1x4096xf32>, vector<512x1xf32> -> vector<512x1xf32>
    %dot_general3A_9 = arith.constant dense<0.000000e+00> : vector<512x1xf32>
    %dot_general3A_10 = tpu.matmul %get3A_6, %get3A_3, %dot_general3A_9 {dimension_numbers = #tpu.dot_dimension_numbers<[1], [1], [0], [0], [0, 0, 1, 0], [], []>, precision = #tpu.contract_precision<fp32>, transpose_lhs_hint = false} : vector<512x4096xf32>, vector<1x4096xf32>, vector<512x1xf32> -> vector<512x1xf32>
    %get3A_11 = arith.constant 0 : index
    %get3A_12 = memref.load %arg8[%get3A_11] : memref<1xf32, #tpu.memory_space<smem>>
    %mul3A_13 = arith.constant 2.000000e+00 : f32
    %mul3A_14 = vector.broadcast %mul3A_13 : f32 to vector<512x1xf32>
    %mul3A_15 = arith.mulf %mul3A_14, %dot_general3A_10 : vector<512x1xf32>
    %sub3A = arith.subf %dot_general3A_8, %mul3A_15 : vector<512x1xf32>
    %reduce_min3A = vector.shape_cast %sub3A : vector<512x1xf32> to vector<1x512x1xf32>
    %reduce_min3A_16 = arith.constant dense<0x7F800000> : vector<1xf32>
    %reduce_min3A_17 = vector.multi_reduction <minimumf>, %reduce_min3A, %reduce_min3A_16 [1, 2] : vector<1x512x1xf32> to vector<1xf32>
    %reduce_min3A_18 = vector.shape_cast %reduce_min3A_17 : vector<1xf32> to vector<1x1x1xf32>
    %reduce_min3A_19 = vector.extract %reduce_min3A_18[0, 0, 0] : f32 from vector<1x1x1xf32>
    %min3A = arith.minimumf %get3A_12, %reduce_min3A_19 : f32
    %swap3A = arith.constant 0 : index
    %swap3A_20 = memref.load %arg8[%swap3A] : memref<1xf32, #tpu.memory_space<smem>>
    memref.store %min3A, %arg8[%swap3A] : memref<1xf32, #tpu.memory_space<smem>>
    %eq3A_21 = arith.constant 1 : i32
    %eq3A_22 = arith.cmpi eq, %arg0, %eq3A_21 : i32
    %convert_element_type3A_23 = arith.extui %eq3A_22 : i1 to i32
    %cond3A_24 = arith.constant 0 : i32
    %cond3A_25 = arith.cmpi ne, %convert_element_type3A_23, %cond3A_24 : i32
    scf.if %cond3A_25 {
      %get3A_26 = arith.constant 0 : index
      %get3A_27 = memref.load %arg8[%get3A_26] : memref<1xf32, #tpu.memory_space<smem>>
      %mul3A_28 = arith.mulf %get3A_3, %get3A_3 : vector<1x4096xf32>
      %reduce_sum3A = vector.shape_cast %mul3A_28 : vector<1x4096xf32> to vector<1x1x4096xf32>
      %reduce_sum3A_29 = arith.constant dense<0.000000e+00> : vector<1xf32>
      %reduce_sum3A_30 = vector.multi_reduction <add>, %reduce_sum3A, %reduce_sum3A_29 [1, 2] : vector<1x1x4096xf32> to vector<1xf32>
      %reduce_sum3A_31 = vector.shape_cast %reduce_sum3A_30 : vector<1xf32> to vector<1x1x1xf32>
      %reduce_sum3A_32 = vector.extract %reduce_sum3A_31[0, 0, 0] : f32 from vector<1x1x1xf32>
      %add3A = arith.addf %get3A_27, %reduce_sum3A_32 : f32
      %sqrt3A = math.sqrt %add3A : f32
      %add3A_33 = arith.constant 1.000000e+00 : f32
      %add3A_34 = arith.addf %add3A_33, %sqrt3A : f32
      %div3A = arith.constant 1.000000e+00 : f32
      %div3A_35 = arith.divf %div3A, %add3A_34 : f32
      %get3A_36 = arith.constant 0 : index
      %get3A_37 = arith.constant 0 : index
      %get3A_38 = vector.load %arg5[%get3A_36, %get3A_37] : memref<1x4096xf32, #tpu.memory_space<vmem>>, vector<1x4096xf32>
      %mul3A_39 = arith.mulf %get3A_38, %get3A_3 : vector<1x4096xf32>
      %reduce_sum3A_40 = vector.shape_cast %mul3A_39 : vector<1x4096xf32> to vector<1x1x4096xf32>
      %reduce_sum3A_41 = arith.constant dense<0.000000e+00> : vector<1xf32>
      %reduce_sum3A_42 = vector.multi_reduction <add>, %reduce_sum3A_40, %reduce_sum3A_41 [1, 2] : vector<1x1x4096xf32> to vector<1xf32>
      %reduce_sum3A_43 = vector.shape_cast %reduce_sum3A_42 : vector<1xf32> to vector<1x1x1xf32>
      %reduce_sum3A_44 = vector.extract %reduce_sum3A_43[0, 0, 0] : f32 from vector<1x1x1xf32>
      %neg3A = arith.constant 0.000000e+00 : f32
      %neg3A_45 = arith.subf %neg3A, %reduce_sum3A_44 : f32
      %exp3A = math.exp %neg3A_45 : f32
      %add3A_46 = arith.constant 1.000000e+00 : f32
      %add3A_47 = arith.addf %add3A_46, %exp3A : f32
      %div3A_48 = arith.constant 1.000000e+00 : f32
      %div3A_49 = arith.divf %div3A_48, %add3A_47 : f32
      %log3A = math.log %div3A_35 : f32
      %mul3A_50 = arith.constant 4.000000e-01 : f32
      %mul3A_51 = arith.mulf %mul3A_50, %log3A : f32
      %log3A_52 = math.log %div3A_49 : f32
      %mul3A_53 = arith.constant 1.000000e-01 : f32
      %mul3A_54 = arith.mulf %mul3A_53, %log3A_52 : f32
      %add3A_55 = arith.addf %mul3A_51, %mul3A_54 : f32
      %exp3A_56 = math.exp %add3A_55 : f32
      %jit3A = arith.constant 0.000000e+00 : f32
      %jit3A_57 = arith.constant 1.000000e+00 : f32
      %max3A = arith.maximumf %jit3A, %exp3A_56 : f32
      %min3A_58 = arith.minimumf %jit3A_57, %max3A : f32
      %reshape3A = vector.broadcast %min3A_58 : f32 to vector<1x1xf32>
      %swap3A_59 = arith.constant 0 : index
      %swap3A_60 = arith.constant 0 : index
      %swap3A_61 = vector.load %arg6[%swap3A_59, %swap3A_60] : memref<1x1xf32, #tpu.memory_space<vmem>>, vector<1x1xf32>
      tpu.vector_store %arg6[%swap3A_59, %swap3A_60], %reshape3A {strides = array<i32>} : memref<1x1xf32, #tpu.memory_space<vmem>>, vector<1x1xf32>,
    } else {
    }
    return
  }
  func.func @transform_0(%arg0: i32, %arg1: memref<1xi32, #tpu.memory_space<smem>>) -> (i32, i32) {
    %c0_i32 = arith.constant 0 : i32
    %c0_i32_0 = arith.constant 0 : i32
    %c0_i32_1 = arith.constant 0 : i32
    return %c0_i32, %c0_i32_0 : i32, i32
  }
  func.func @transform_1(%arg0: i32, %arg1: memref<1xi32, #tpu.memory_space<smem>>) -> (i32, i32) {
    %get3A = arith.constant 0 : index
    %get3A_0 = memref.load %arg1[%get3A] : memref<1xi32, #tpu.memory_space<smem>>
    %jit3A = arith.constant 8 : i32
    %div3A = arith.divsi %get3A_0, %jit3A : i32
    %sign3A = arith.constant 0 : i32
    %sign3A_1 = arith.cmpi sgt, %get3A_0, %sign3A : i32
    %sign3A_2 = arith.extui %sign3A_1 : i1 to i32
    %sign3A_3 = arith.constant 0 : i32
    %sign3A_4 = arith.cmpi slt, %get3A_0, %sign3A_3 : i32
    %sign3A_5 = arith.extui %sign3A_4 : i1 to i32
    %sign3A_6 = arith.subi %sign3A_2, %sign3A_5 : i32
    %sign3A_7 = arith.constant 0 : i32
    %sign3A_8 = arith.cmpi sgt, %jit3A, %sign3A_7 : i32
    %sign3A_9 = arith.extui %sign3A_8 : i1 to i32
    %sign3A_10 = arith.constant 0 : i32
    %sign3A_11 = arith.cmpi slt, %jit3A, %sign3A_10 : i32
    %sign3A_12 = arith.extui %sign3A_11 : i1 to i32
    %sign3A_13 = arith.subi %sign3A_9, %sign3A_12 : i32
    %ne3A = arith.cmpi ne, %sign3A_6, %sign3A_13 : i32
    %rem3A = arith.remsi %get3A_0, %jit3A : i32
    %ne3A_14 = arith.constant 0 : i32
    %ne3A_15 = arith.cmpi ne, %rem3A, %ne3A_14 : i32
    %and3A = arith.andi %ne3A, %ne3A_15 : i1
    %sub3A = arith.constant 1 : i32
    %sub3A_16 = arith.subi %div3A, %sub3A : i32
    %select_n3A = arith.select %and3A, %sub3A_16, %div3A : i32
    %c0_i32 = arith.constant 0 : i32
    %c0_i32_17 = arith.constant 0 : i32
    return %select_n3A, %c0_i32 : i32, i32
  }
  func.func @transform_2(%arg0: i32, %arg1: memref<1xi32, #tpu.memory_space<smem>>) -> (i32, i32) {
    %c0_i32 = arith.constant 0 : i32
    %c0_i32_0 = arith.constant 0 : i32
    return %arg0, %c0_i32 : i32, i32
  }
  func.func @transform_3(%arg0: i32, %arg1: memref<1xi32, #tpu.memory_space<smem>>) -> (i32, i32) {
    %c0_i32 = arith.constant 0 : i32
    %c0_i32_0 = arith.constant 0 : i32
    %c0_i32_1 = arith.constant 0 : i32
    return %c0_i32, %c0_i32_0 : i32, i32
  }
  func.func @transform_4(%arg0: i32, %arg1: memref<1xi32, #tpu.memory_space<smem>>) -> (i32, i32) {
    %c0_i32 = arith.constant 0 : i32
    %c0_i32_0 = arith.constant 0 : i32
    %c0_i32_1 = arith.constant 0 : i32
    return %c0_i32, %c0_i32_0 : i32, i32
  }
}

</mosaic_0001>

<sc_bundles>
// kernel: kernel.4.cloned.1.call-start
scs
__scs_entry_jumppad:
0x0: {  	(pc) =	sbr.rel $0x88, $3  }
0x1: {  	(tag) =	ssettag $0x0;
	lr =	simm.s32 $0x1  }
0x2: {  	[smem:$0x3F9C] =	sst lr;
	_ =	strace $0xD0000000  }
0x3: {  	_ = 	snop  }
0x4: {  	_ = 	snop  }
0x5: {  	_ = 	snop  }
0x6: {  	_ = 	snop  }
0x7: {  	_ = 	snop  }
__scs_overlays_trampoline_lowered:
0x8: {  	[smem:$0x3FAB] =	sst s0  }
0x9: {  	[smem:$0x3FAC] =	sst s1  }
0xa: {  	[smem:$0x3FAD] =	sst s2  }
0xb: {  	[smem:$0x3FAE] =	sst s3  }
0xc: {  	[smem:$0x3FAF] =	sst s4  }
0xd: {  	[smem:$0x3FB0] =	sst s5  }
0xe: {  	[smem:$0x3FB1] =	sst s6  }
0xf: {  	[smem:$0x3FB2] =	sst s7  }
0x10: {  	[smem:$0x3FB3] =	sst s8  }
0x11: {  	[smem:$0x3FB4] =	sst s9;
	s0 =	simm.s32 @!p0 $0x0  }
0x12: {  	s1 =	sld [smem:$0x3F9A];
	s0 =	simm.s32 @p0 $0x1  }
0x13: {  	[smem:$0x3FB5] =	sst s0;
	s0 =	simm.s32 @!p1 $0x0  }
0x14: {  	s2 =	sld [smem:$0x3F99];
	s0 =	simm.s32 @p1 $0x1  }
0x15: {  	[smem:$0x3FB6] =	sst s0;
	s0 =	simm.s32 @!p2 $0x0  }
0x16: {  	s3 =	sld [smem:$0x3FDB];
	s0 =	simm.s32 @p2 $0x1  }
0x17: {  	s4 =	simm.s32 $0x1BF5;
	[smem:$0x3FB8] =	sst s0  }
0x18: {  	s0 =	sld [smem:$0x3F9B];
	_ =	swait.ge [sflag:s4], $0x0  }
0x19: {  	s7 =	sld [smem:$0x3F9C]  }
0x1a: {  	s8 =	sadd.s32 $0xFFFFE003, lr  }
0x1b: {  	s9 =	sadd.s32 $0xFFFFFEF7, lr;
	s5 =	simm.s32 $0xFFFFFFFF;
	p2 =	slt.u32 s8, $0xFFFFF086  }
0x1c: {  	p1 =	slt.u32 s9, $0xF7A;
	s5 =	simm.s32 @!p2 $0x0  }
0x1d: {  	s5 =	simm.s32 @p1 $0x1;
	p0 =	seq.s32 s7, s2  }
0x1e: {  	s7 =	smul.u32 @!p0 $0xF7A, s2;
	p2 =	seq.s32 @!p0 s5, $0x0  }
0x1f: {  	s9 =	smul.u32 $0xF7A, s1;
	s8 =	simm.s32 @!p0 $0x1BF5;
	p2 =	por !p2, p0  }
0x20: {  	[sflag:s8] =	ssyncset.s32 @!p0 $0xFFFFF086;
	s6 =	sadd.s32 @!p0 s3, s7;
	s7 =	simm.s32 @!p0 $0x108  }
0x21: {  	s3 =	sadd.s32 s3, s9;
	s6 =	sadd.s32 @!p0 $0x88, s6;
	s7 =	simm.s32 @p2 $0x1082  }
0x22: {  	[simem:s7], [sflag:s8] =	dma.local @!p0 [hbm:s6], $0xF7A  }
0x23: {  	s9 =	sor.u32 $0xD0000000, s2;
	s6 =	simm.s32 $0x108;
	_ =	swait.ge @!p0 [sflag:s8], $0x0  }
0x24: {  	s3 =	sadd.s32 $0x88, s3;
	s6 =	simm.s32 @!p1 $0x1082;
	[sflag:s4] =	ssyncset.s32 $0xFFFFF086  }
0x25: {  	[simem:s6], [sflag:s4] =	dma.local [hbm:s3], $0xF7A  }
0x26: {  	[smem:$0x3F9C] =	sst s1;
	(tag) =	ssettag s2;
	_ =	strace s9  }
0x27: {  	s1 =	sld [smem:$0x3FAC]  }
0x28: {  	s2 =	sld [smem:$0x3FAD]  }
0x29: {  	s4 =	sld [smem:$0x3FAF]  }
0x2a: {  	p0 =	seq.s32 s5, $0x0;
	s5 =	sld [smem:$0x3FB0]  }
0x2b: {  	s6 =	sld [smem:$0x3FB1]  }
0x2c: {  	s7 =	sld [smem:$0x3FB2]  }
0x2d: {  	s3 =	simm.s32 $0x108;
	s8 =	sld [smem:$0x3FB3]  }
0x2e: {  	s3 =	simm.s32 @!p0 $0x1082;
	s9 =	sld [smem:$0x3FB4]  }
0x2f: {  	lr =	sadd.s32 s0, s3;
	s0 =	sld [smem:$0x3FAB]  }
0x30: {  	s3 =	sld [smem:$0x3FAE]  }
0x31: {  	[smem:$0x3FB7] =	sst s10  }
0x32: {  	s10 =	sld [smem:$0x3FB5];
	_ =	sdelay $0x3  }
0x33: {  	p0 =	seq.s32 s10, $0x1;
	s10 =	sld [smem:$0x3FB7];
	_ =	sdelay $0x3  }
0x34: {  	[smem:$0x3FB7] =	sst s10  }
0x35: {  	s10 =	sld [smem:$0x3FB6];
	_ =	sdelay $0x3  }
0x36: {  	p1 =	seq.s32 s10, $0x1;
	s10 =	sld [smem:$0x3FB7];
	_ =	sdelay $0x3  }
0x37: {  	[smem:$0x3FB7] =	sst s10  }
0x38: {  	s10 =	sld [smem:$0x3FB8]  }
0x39: {  	_ = 	snop;
	(pc) =	sbr.ind lr, $3  }
0x3a: {  	_ = 	snop  }
0x3b: {  	_ = 	snop  }
0x3c: {  	p2 =	seq.s32 s10, $0x1;
	s10 =	sld [smem:$0x3FB7]  }
0x3d: {  	_ =	shalt  }
0x3e: {  	_ =	shalt  }
0x3f: {  	_ =	shalt  }
0x40: {  	_ =	shalt  }
0x41: {  	_ =	shalt  }
0x42: {  	_ =	shalt  }
0x43: {  	_ =	shalt  }
0x44: {  	_ =	shalt  }
0x45: {  	_ =	shalt  }
0x46: {  	_ =	shalt  }
0x47: {  	_ =	shalt  }
0x48: {  	_ =	shalt  }
0x49: {  	_ =	shalt  }
0x4a: {  	_ =	shalt  }
0x4b: {  	_ =	shalt  }
0x4c: {  	_ =	shalt  }
0x4d: {  	_ =	shalt  }
0x4e: {  	_ =	shalt  }
0x4f: {  	_ =	shalt  }
0x50: {  	_ =	shalt  }
0x51: {  	_ =	shalt  }
0x52: {  	_ =	shalt  }
0x53: {  	_ =	shalt  }
0x54: {  	_ =	shalt  }
0x55: {  	_ =	shalt  }
0x56: {  	_ =	shalt  }
0x57: {  	_ =	shalt  }
0x58: {  	_ =	shalt  }
0x59: {  	_ =	shalt  }
0x5a: {  	_ =	shalt  }
0x5b: {  	_ =	shalt  }
0x5c: {  	_ =	shalt  }
0x5d: {  	_ =	shalt  }
0x5e: {  	_ =	shalt  }
0x5f: {  	_ =	shalt  }
0x60: {  	_ =	shalt  }
0x61: {  	_ =	shalt  }
0x62: {  	_ =	shalt  }
0x63: {  	_ =	shalt  }
0x64: {  	_ =	shalt  }
0x65: {  	_ =	shalt  }
0x66: {  	_ =	shalt  }
0x67: {  	_ =	shalt  }
0x68: {  	_ =	shalt  }
0x69: {  	_ =	shalt  }
0x6a: {  	_ =	shalt  }
0x6b: {  	_ =	shalt  }
0x6c: {  	_ =	shalt  }
0x6d: {  	_ =	shalt  }
0x6e: {  	_ =	shalt  }
0x6f: {  	_ =	shalt  }
0x70: {  	_ =	shalt  }
0x71: {  	_ =	shalt  }
0x72: {  	_ =	shalt  }
0x73: {  	_ =	shalt  }
0x74: {  	_ =	shalt  }
0x75: {  	_ =	shalt  }
0x76: {  	_ =	shalt  }
0x77: {  	_ =	shalt  }
0x78: {  	_ =	shalt  }
0x79: {  	_ =	shalt  }
0x7a: {  	_ =	shalt  }
0x7b: {  	_ =	shalt  }
0x7c: {  	_ =	shalt  }
0x7d: {  	_ =	shalt  }
0x7e: {  	_ =	shalt  }
0x7f: {  	_ =	shalt  }
0x80: {  	_ =	shalt  }
0x81: {  	_ =	shalt  }
0x82: {  	_ =	shalt  }
0x83: {  	_ =	shalt  }
0x84: {  	_ =	shalt  }
0x85: {  	_ =	shalt  }
0x86: {  	_ =	shalt  }
0x87: {  	_ =	shalt  }
.Lfunc_end0:
.L_simem_size_0:
called_computation_lowered:
.L_overlay_start_0:
0x88: {  	s2 =	sld [smem:$0x3FD9]  }
0x89: {  	s3 =	sld [smem:$0x3FFE];
	_ =	sdelay $0x1  }
0x8a: {  	s1 =	srdreg.scid  }
0x8b: {  	s0 =	sand.u32 $0x1, s1  }
0x8c: {  	s17 =	sshll.u32 s0, $0xA;
	s2 =	sadd.s32 s3, s2  }
0x8d: {  	s2 =	sadd.s32 s2, s17  }
0x8e: {  	[smem:$0x3FC3] =	sst s2  }
0x8f: {  	_ = 	snop  }
0x90: {  	s2 =	sld [smem:$0x3FC7];
	(tm) =	ssettm $0x1  }
0x91: {  	s18 =	sld [smem:$0x3FFB];
	_ =	sdelay $0x3  }
0x92: {  	_ =	strace s18  }
0x93: {  	s3 =	sld [smem:$0x3FFC];
	_ =	sdelay $0x3  }
0x94: {  	_ =	strace s3  }
0x95: {  	s3 =	sld [smem:$0x3FFD];
	_ =	sdelay $0x3  }
0x96: {  	_ =	strace s3  }
0x97: {  	_ =	strace $0x8FFFFFFF  }
0x98: {  	s19 =	sld [smem:$0x3FDB];
	_ =	sdelay $0x1  }
0x99: {  	s4 =	simm.s32 $_scs_section_size  }
0x9a: {  	s5 =	simm.s32 $_size__tile_overlayer_lowered;
	s6 =	simm.s32 $_tile_overlayer_lowered  }
0x9b: {  	s22 =	simm.s32 $0x1BFF;
	s21 =	sshll.u32 s6, $0x1;
	s3 =	sadd.s32 s4, s19  }
0x9c: {  	s7 =	simm.s32 $0x0;
	s20 =	sshll.u32 s5, $0x1;
	s5 =	sadd.s32 s21, s3  }
0x9d: {  	[timem:s7], [sflag:s22] =	dma.local [hbm:s5], s20  }
0x9e: {  	_ =	swait.ge [sflag:s22], s20  }
0x9f: {  	s4 =	ssub.s32 $0x0, s20;
	[sflag:s22] =	ssyncset.done $0x0  }
0xa0: {  	[sflag:s22] =	ssyncadd.s32 s4;
	_ =	sdelay $0x1  }
0xa1: {  	s23 =	simm.s32 $0x1B8B  }
0xa2: {  	_ =	swait.ge [sflag:s23], $0x1  }
0xa3: {  	[sflag:s23] =	ssyncset.done $0x0  }
0xa4: {  	s25 =	simm.s32 $0x1B8E;
	s24 =	sld [smem:$0x3FFE];
	[sflag:s23] =	ssyncadd.s32 $0xFFFFFFFF  }
0xa5: {  	s26 =	simm.s32 $execute0_lowered;
	[smem:$0x3FD2] =	sst s25  }
0xa6: {  	s5 =	sshll.u32 s26, $0x1;
	_ =	strace $0x80000046;
	[dreg:$0x1] =	wrdreg $0xFFFFFFFF  }
0xa7: {  	s28 =	simm.s32 $_size_execute0_lowered;
	s3 =	sadd.s32 s3, s5;
	[dreg:$0x0] =	wrdreg $0x0  }
0xa8: {  	s5 =	sshll.u32 s28, $0x1;
	[dreg:$0x2] =	wrdreg s3  }
0xa9: {  	[dreg:$0x3] =	wrdreg s5  }
0xaa: {  	[dreg:$0x4] =	wrdreg $0xC0  }
0xab: {  	_ =	task [dreg:s7], $0x5FFFF  }
0xac: {  	[dreg:$0x1] =	wrdreg $0xFFFFFFFF  }
0xad: {  	[dreg:$0x0] =	wrdreg $0x60  }
0xae: {  	[dreg:$0x2] =	wrdreg s24  }
0xaf: {  	[dreg:$0x3] =	wrdreg s2  }
0xb0: {  	[dreg:$0x4] =	wrdreg $0x9  }
0xb1: {  	_ =	task.clear_ibuf [dreg:s7], $0x5FFFF;
	_ =	strace $0x90000046  }
0xb2: {  	s29 =	simm.s32 $0x9;
	_ =	strace $0x80000048  }
0xb3: {  	_ =	swait.ge [sflag:s29], $0x1  }
0xb4: {  	[sflag:s29] =	ssyncadd.s32 $0xFFFFFFFF  }
0xb5: {  	_ =	strace $0x90000048  }
0xb6: {  	_ =	sfence  }
0xb7: {  	s30 =	sld [smem:$0x0];
	_ =	sdelay $0x2  }
0xb8: {  	s31 =	sshll.u32 s1, $0xD;
	s1 =	sshrl.u32 s1, $0x2  }
0xb9: {  	s3 =	sand.u32 $0x4000, s31;
	s1 =	sadd.s32 s1, s30  }
0xba: {  	s0 =	sor.u32 s3, s0;
	s1 =	sshll.u32 s1, $0x11  }
0xbb: {  	s0 =	sor.u32 s1, s0  }
0xbc: {  	s0 =	sadd.s32 $0x8F2B, s0  }
0xbd: {  	[sflag:s0] =	ssyncadd.remote.s32 $0x1  }
0xbe: {  	_ =	sfence.sel $0xFFFF  }
0xbf: {  	[dreg:$0x0] =	wrdreg $0xFFFFFFFF;
	(pc) =	sbr.abs _section_cstart, $3  }
0xc0: {  	[dreg:$0x1] =	wrdreg $0xFFFFFFFF  }
0xc1: {  	_ =	task.clear_ibuf [dreg:s7], $0x2FFFF;
	_ =	strace $0x9FFFFFFF  }
0xc2: {  	(tm) =	ssettm $0x7FFFFFFF  }
0xc3: {  	_ =	shalt  }
tec
execute0_lowered:
.L_overlay_start_1:
0x0: {  	(tag) =	ssettag $0x1  }
0x1: {  	s0 =	rddreg [dreg:$0x0]  }
0x2: {  	s1 =	srdreg.scid;
	s2 =	rddreg [dreg:$0x1]  }
0x3: {  	s6 =	stileid.u32;
	s3 =	simm.s32 $0x0;
	s25 =	simm.s32 $0x80  }
0x4: {  	s26 =	simm.s32 $0x18400;
	s28 =	simm.s32 $0x11C00;
	s29 =	simm.s32 $0x12400  }
0x5: {  	s30 =	simm.s32 $0x12C00;
	s31 =	simm.s32 $0x13400;
	s1 =	sand.u32 $0x1, s1  }
0x6: {  	s4 =	sshll.u32 s6, $0x8;
	s23 =	sshll.u32 s6, $0xD;
	[smem:$0x7FF] =	sst s3  }
0x7: {  	s6 =	sadd.s32 $0x300, s2;
	s7 =	sadd.s32 $0x400, s2;
	s8 =	sadd.s32 $0x500, s2  }
0x8: {  	s9 =	sadd.s32 $0x600, s2;
	s10 =	sadd.s32 $0x700, s2;
	s11 =	sadd.s32 $0x800, s2  }
0x9: {  	s12 =	sadd.s32 $0x900, s2;
	s13 =	sadd.s32 $0xA00, s2;
	s14 =	sadd.s32 $0xB00, s2  }
0xa: {  	s15 =	sadd.s32 $0xC00, s2;
	s16 =	sadd.s32 $0xD00, s2;
	s17 =	sadd.s32 $0xE00, s2  }
0xb: {  	s18 =	sadd.s32 $0xF00, s2;
	s5 =	sshll.u32 s1, $0x7;
	_ =	strace $0x80000047  }
0xc: {  	s1 =	ssub.s32 $0x2, s1;
	[dreg:$0x5] =	wrdreg s25;
	s4 =	sor.u32 s5, s4  }
0xd: {  	[dreg:$0x6] =	wrdreg s26;
	s26 =	simm.s32 $0x11400;
	s5 =	sor.u32 s23, s4  }
0xe: {  	s24 =	sshrl.u32 s1, $0x1;
	s4 =	sadd.s32 s4, s0;
	s5 =	sand.u32 $0x18380, s5  }
0xf: {  	s1 =	ssub.s32 s1, s24;
	s4 =	sadd.s32 $0xA00, s4;
	s5 =	sshrl.u32 s5, $0x3  }
0x10: {  	v0 =	vlaneseq.u32;
	s19 =	smax.u32 s1, $0x1;
	s1 =	simm.s32 $0x2;
	s0 =	sadd.s32 s5, s0  }
0x11: {  	v1 =	vshrl.u32 v0, $0x3;
	[dreg:$0x3] =	wrdreg s4;
	s4 =	sadd.s32 $0x100, s2;
	s0 =	sadd.s32 $0x1A00, s0  }
0x12: {  	vm0 =	vmmov $0xffff;
	v0 =	vand.u32 $0x7, v0;
	v1 =	vmul.u32 $0x8, v1;
	s5 =	sadd.s32 $0x200, s2;
	s2 =	simm.s32 $0x1;
	[dreg:$0x4] =	wrdreg s0  }
.LBB2_1:
0x13: {  	s23 =	rddreg [dreg:$0x3];
	s0 =	simm.s32 $0x4  }
0x14: {  	[tilespmem:s3], [sflag:$0x4] =	stream.linear.gather [hbm4b:s23+s3], $0x400, $0x38;
	[tilespmem:$0x19400] =	vst v63  }
0x15: {  	_ =	swait.ge [sflag:s0], $0x400  }
0x16: {  	[sflag:s0] =	ssyncset.done $0x0  }
0x17: {  	[sflag:s0] =	ssyncadd.s32 $0xFFFFFC00  }
0x18: {  	v2 =	vld.msk [tilespmem:$0x0], $0xff;
	_ =	sdelay $0x4  }
0x19: {  	v3 =	vshll.u32 v2, $0x5  }
0x1a: {  	v2 =	vand.u32 $0x7, v2;
	v3 =	vand.u32 $0xFFFFFF00, v3  }
0x1b: {  	v2 =	vor.u32 v2, v3  }
0x1c: {  	v2 =	vperm.xlane v2, v0;
	_ =	sdelay $0x1  }
0x1d: {  	v2 =	vadd.s32 v1, v2;
	_ =	sdelay $0x3  }
0x1e: {  	s20 =	simm.s32 $0x400;
	s0 =	rddreg [dreg:$0x1]  }
0x1f: {  	[tilespmem:s20], [sflag:$0x1] =	stream.indirect_vreg.gather [hbm4b:s0+s3], $0x80, v2, vm0, $0xb8;
	[tilespmem:$0x19400] =	vst v63  }
0x20: {  	s24 =	simm.s32 $0xC00  }
0x21: {  	[tilespmem:s24], [sflag:$0x1] =	stream.indirect_vreg.gather [hbm4b:s4+s3], $0x80, v2, vm0, $0xb8;
	[tilespmem:$0x19400] =	vst v63  }
0x22: {  	s25 =	simm.s32 $0x1400  }
0x23: {  	[tilespmem:s25], [sflag:$0x1] =	stream.indirect_vreg.gather [hbm4b:s5+s3], $0x80, v2, vm0, $0xb8;
	[tilespmem:$0x19400] =	vst v63  }
0x24: {  	s21 =	simm.s32 $0x1C00  }
0x25: {  	[tilespmem:s21], [sflag:$0x1] =	stream.indirect_vreg.gather [hbm4b:s6+s3], $0x80, v2, vm0, $0xb8;
	[tilespmem:$0x19400] =	vst v63  }
0x26: {  	s22 =	simm.s32 $0x2400  }
0x27: {  	[tilespmem:s22], [sflag:$0x1] =	stream.indirect_vreg.gather [hbm4b:s7+s3], $0x80, v2, vm0, $0xb8;
	[tilespmem:$0x19400] =	vst v63  }
0x28: {  	s23 =	simm.s32 $0x2C00  }
0x29: {  	[tilespmem:s23], [sflag:$0x1] =	stream.indirect_vreg.gather [hbm4b:s8+s3], $0x80, v2, vm0, $0xb8;
	[tilespmem:$0x19400] =	vst v63  }
0x2a: {  	s24 =	simm.s32 $0x3400  }
0x2b: {  	[tilespmem:s24], [sflag:$0x1] =	stream.indirect_vreg.gather [hbm4b:s9+s3], $0x80, v2, vm0, $0xb8;
	[tilespmem:$0x19400] =	vst v63  }
0x2c: {  	s25 =	simm.s32 $0x3C00  }
0x2d: {  	[tilespmem:s25], [sflag:$0x1] =	stream.indirect_vreg.gather [hbm4b:s10+s3], $0x80, v2, vm0, $0xb8;
	[tilespmem:$0x19400] =	vst v63  }
0x2e: {  	s21 =	simm.s32 $0x4400  }
0x2f: {  	[tilespmem:s21], [sflag:$0x1] =	stream.indirect_vreg.gather [hbm4b:s11+s3], $0x80, v2, vm0, $0xb8;
	[tilespmem:$0x19400] =	vst v63  }
0x30: {  	s22 =	simm.s32 $0x4C00  }
0x31: {  	[tilespmem:s22], [sflag:$0x1] =	stream.indirect_vreg.gather [hbm4b:s12+s3], $0x80, v2, vm0, $0xb8;
	[tilespmem:$0x19400] =	vst v63  }
0x32: {  	s23 =	simm.s32 $0x5400  }
0x33: {  	[tilespmem:s23], [sflag:$0x1] =	stream.indirect_vreg.gather [hbm4b:s13+s3], $0x80, v2, vm0, $0xb8;
	[tilespmem:$0x19400] =	vst v63  }
0x34: {  	s24 =	simm.s32 $0x5C00  }
0x35: {  	[tilespmem:s24], [sflag:$0x1] =	stream.indirect_vreg.gather [hbm4b:s14+s3], $0x80, v2, vm0, $0xb8;
	[tilespmem:$0x19400] =	vst v63  }
0x36: {  	s25 =	simm.s32 $0x6400  }
0x37: {  	[tilespmem:s25], [sflag:$0x1] =	stream.indirect_vreg.gather [hbm4b:s15+s3], $0x80, v2, vm0, $0xb8;
	[tilespmem:$0x19400] =	vst v63  }
0x38: {  	s21 =	simm.s32 $0x6C00  }
0x39: {  	[tilespmem:s21], [sflag:$0x1] =	stream.indirect_vreg.gather [hbm4b:s16+s3], $0x80, v2, vm0, $0xb8;
	[tilespmem:$0x19400] =	vst v63  }
0x3a: {  	s22 =	simm.s32 $0x7400  }
0x3b: {  	[tilespmem:s22], [sflag:$0x1] =	stream.indirect_vreg.gather [hbm4b:s17+s3], $0x80, v2, vm0, $0xb8;
	[tilespmem:$0x19400] =	vst v63  }
0x3c: {  	s23 =	simm.s32 $0x7C00  }
0x3d: {  	[tilespmem:s23], [sflag:$0x1] =	stream.indirect_vreg.gather [hbm4b:s18+s3], $0x80, v2, vm0, $0xb8;
	[tilespmem:$0x19400] =	vst v63  }
0x3e: {  	v2 =	vld.msk [tilespmem:$0x80], $0xff;
	_ =	sdelay $0x4  }
0x3f: {  	v3 =	vshll.u32 v2, $0x5  }
0x40: {  	v2 =	vand.u32 $0x7, v2;
	v3 =	vand.u32 $0xFFFFFF00, v3  }
0x41: {  	v2 =	vor.u32 v2, v3  }
0x42: {  	v2 =	vperm.xlane v2, v0;
	_ =	sdelay $0x1  }
0x43: {  	v2 =	vadd.s32 v1, v2;
	_ =	sdelay $0x3  }
0x44: {  	s24 =	simm.s32 $0x8400  }
0x45: {  	[tilespmem:s24], [sflag:$0x2] =	stream.indirect_vreg.gather [hbm4b:s0+s3], $0x80, v2, vm0, $0xb8;
	[tilespmem:$0x19400] =	vst v63  }
0x46: {  	s25 =	simm.s32 $0x8C00  }
0x47: {  	[tilespmem:s25], [sflag:$0x2] =	stream.indirect_vreg.gather [hbm4b:s4+s3], $0x80, v2, vm0, $0xb8;
	[tilespmem:$0x19400] =	vst v63  }
0x48: {  	s21 =	simm.s32 $0x9400  }
0x49: {  	[tilespmem:s21], [sflag:$0x2] =	stream.indirect_vreg.gather [hbm4b:s5+s3], $0x80, v2, vm0, $0xb8;
	[tilespmem:$0x19400] =	vst v63  }
0x4a: {  	s22 =	simm.s32 $0x9C00  }
0x4b: {  	[tilespmem:s22], [sflag:$0x2] =	stream.indirect_vreg.gather [hbm4b:s6+s3], $0x80, v2, vm0, $0xb8;
	[tilespmem:$0x19400] =	vst v63  }
0x4c: {  	s23 =	simm.s32 $0xA400  }
0x4d: {  	[tilespmem:s23], [sflag:$0x2] =	stream.indirect_vreg.gather [hbm4b:s7+s3], $0x80, v2, vm0, $0xb8;
	[tilespmem:$0x19400] =	vst v63  }
0x4e: {  	s24 =	simm.s32 $0xAC00  }
0x4f: {  	[tilespmem:s24], [sflag:$0x2] =	stream.indirect_vreg.gather [hbm4b:s8+s3], $0x80, v2, vm0, $0xb8;
	[tilespmem:$0x19400] =	vst v63  }
0x50: {  	s25 =	simm.s32 $0xB400  }
0x51: {  	[tilespmem:s25], [sflag:$0x2] =	stream.indirect_vreg.gather [hbm4b:s9+s3], $0x80, v2, vm0, $0xb8;
	[tilespmem:$0x19400] =	vst v63  }
0x52: {  	s21 =	simm.s32 $0xBC00  }
0x53: {  	[tilespmem:s21], [sflag:$0x2] =	stream.indirect_vreg.gather [hbm4b:s10+s3], $0x80, v2, vm0, $0xb8;
	[tilespmem:$0x19400] =	vst v63  }
0x54: {  	s22 =	simm.s32 $0xC400  }
0x55: {  	[tilespmem:s22], [sflag:$0x2] =	stream.indirect_vreg.gather [hbm4b:s11+s3], $0x80, v2, vm0, $0xb8;
	[tilespmem:$0x19400] =	vst v63  }
0x56: {  	s23 =	simm.s32 $0xCC00  }
0x57: {  	[tilespmem:s23], [sflag:$0x2] =	stream.indirect_vreg.gather [hbm4b:s12+s3], $0x80, v2, vm0, $0xb8;
	[tilespmem:$0x19400] =	vst v63  }
0x58: {  	s24 =	simm.s32 $0xD400  }
0x59: {  	[tilespmem:s24], [sflag:$0x2] =	stream.indirect_vreg.gather [hbm4b:s13+s3], $0x80, v2, vm0, $0xb8;
	[tilespmem:$0x19400] =	vst v63  }
0x5a: {  	s25 =	simm.s32 $0xDC00  }
0x5b: {  	[tilespmem:s25], [sflag:$0x2] =	stream.indirect_vreg.gather [hbm4b:s14+s3], $0x80, v2, vm0, $0xb8;
	[tilespmem:$0x19400] =	vst v63  }
0x5c: {  	s21 =	simm.s32 $0xE400  }
0x5d: {  	[tilespmem:s21], [sflag:$0x2] =	stream.indirect_vreg.gather [hbm4b:s15+s3], $0x80, v2, vm0, $0xb8;
	[tilespmem:$0x19400] =	vst v63  }
0x5e: {  	s22 =	simm.s32 $0xEC00  }
0x5f: {  	[tilespmem:s22], [sflag:$0x2] =	stream.indirect_vreg.gather [hbm4b:s16+s3], $0x80, v2, vm0, $0xb8;
	[tilespmem:$0x19400] =	vst v63  }
0x60: {  	s23 =	simm.s32 $0xF400  }
0x61: {  	[tilespmem:s23], [sflag:$0x2] =	stream.indirect_vreg.gather [hbm4b:s17+s3], $0x80, v2, vm0, $0xb8;
	[tilespmem:$0x19400] =	vst v63  }
0x62: {  	s24 =	simm.s32 $0xFC00  }
0x63: {  	[tilespmem:s24], [sflag:$0x2] =	stream.indirect_vreg.gather [hbm4b:s18+s3], $0x80, v2, vm0, $0xb8;
	[tilespmem:$0x19400] =	vst v63  }
0x64: {  	v2 =	vld.msk [tilespmem:$0x100], $0xff;
	_ =	sdelay $0x4  }
0x65: {  	v3 =	vshll.u32 v2, $0x5  }
0x66: {  	v2 =	vand.u32 $0x7, v2;
	v3 =	vand.u32 $0xFFFFFF00, v3  }
0x67: {  	v2 =	vor.u32 v2, v3  }
0x68: {  	v2 =	vperm.xlane v2, v0;
	_ =	sdelay $0x1  }
0x69: {  	v2 =	vadd.s32 v1, v2;
	_ =	sdelay $0x3  }
0x6a: {  	s20 =	simm.s32 $0x10400  }
0x6b: {  	[tilespmem:s20], [sflag:$0x3] =	stream.indirect_vreg.gather [hbm4b:s0+s3], $0x80, v2, vm0, $0xb8;
	[tilespmem:$0x19400] =	vst v63  }
0x6c: {  	s21 =	simm.s32 $0x10C00  }
0x6d: {  	[tilespmem:s21], [sflag:$0x3] =	stream.indirect_vreg.gather [hbm4b:s4+s3], $0x80, v2, vm0, $0xb8;
	[tilespmem:$0x19400] =	vst v63  }
0x6e: {  	_ = 	snop  }
0x6f: {  	[tilespmem:s26], [sflag:$0x3] =	stream.indirect_vreg.gather [hbm4b:s5+s3], $0x80, v2, vm0, $0xb8;
	[tilespmem:$0x19400] =	vst v63  }
0x70: {  	_ = 	snop  }
0x71: {  	[tilespmem:s28], [sflag:$0x3] =	stream.indirect_vreg.gather [hbm4b:s6+s3], $0x80, v2, vm0, $0xb8;
	[tilespmem:$0x19400] =	vst v63  }
0x72: {  	_ = 	snop  }
0x73: {  	[tilespmem:s29], [sflag:$0x3] =	stream.indirect_vreg.gather [hbm4b:s7+s3], $0x80, v2, vm0, $0xb8;
	[tilespmem:$0x19400] =	vst v63  }
0x74: {  	_ = 	snop  }
0x75: {  	[tilespmem:s30], [sflag:$0x3] =	stream.indirect_vreg.gather [hbm4b:s8+s3], $0x80, v2, vm0, $0xb8;
	[tilespmem:$0x19400] =	vst v63  }
0x76: {  	_ = 	snop  }
0x77: {  	[tilespmem:s31], [sflag:$0x3] =	stream.indirect_vreg.gather [hbm4b:s9+s3], $0x80, v2, vm0, $0xb8;
	[tilespmem:$0x19400] =	vst v63  }
0x78: {  	s25 =	simm.s32 $0x13C00  }
0x79: {  	[tilespmem:s25], [sflag:$0x3] =	stream.indirect_vreg.gather [hbm4b:s10+s3], $0x80, v2, vm0, $0xb8;
	[tilespmem:$0x19400] =	vst v63  }
0x7a: {  	s23 =	simm.s32 $0x14400  }
0x7b: {  	[tilespmem:s23], [sflag:$0x3] =	stream.indirect_vreg.gather [hbm4b:s11+s3], $0x80, v2, vm0, $0xb8;
	[tilespmem:$0x19400] =	vst v63  }
0x7c: {  	s24 =	simm.s32 $0x14C00  }
0x7d: {  	[tilespmem:s24], [sflag:$0x3] =	stream.indirect_vreg.gather [hbm4b:s12+s3], $0x80, v2, vm0, $0xb8;
	[tilespmem:$0x19400] =	vst v63  }
0x7e: {  	s25 =	simm.s32 $0x15400  }
0x7f: {  	[tilespmem:s25], [sflag:$0x3] =	stream.indirect_vreg.gather [hbm4b:s13+s3], $0x80, v2, vm0, $0xb8;
	[tilespmem:$0x19400] =	vst v63  }
0x80: {  	s22 =	simm.s32 $0x15C00  }
0x81: {  	[tilespmem:s22], [sflag:$0x3] =	stream.indirect_vreg.gather [hbm4b:s14+s3], $0x80, v2, vm0, $0xb8;
	[tilespmem:$0x19400] =	vst v63  }
0x82: {  	s22 =	simm.s32 $0x16400  }
0x83: {  	[tilespmem:s22], [sflag:$0x3] =	stream.indirect_vreg.gather [hbm4b:s15+s3], $0x80, v2, vm0, $0xb8;
	[tilespmem:$0x19400] =	vst v63  }
0x84: {  	s22 =	simm.s32 $0x16C00  }
0x85: {  	[tilespmem:s22], [sflag:$0x3] =	stream.indirect_vreg.gather [hbm4b:s16+s3], $0x80, v2, vm0, $0xb8;
	[tilespmem:$0x19400] =	vst v63  }
0x86: {  	s22 =	simm.s32 $0x17400  }
0x87: {  	[tilespmem:s22], [sflag:$0x3] =	stream.indirect_vreg.gather [hbm4b:s17+s3], $0x80, v2, vm0, $0xb8;
	[tilespmem:$0x19400] =	vst v63  }
0x88: {  	s22 =	simm.s32 $0x17C00  }
0x89: {  	[tilespmem:s22], [sflag:$0x3] =	stream.indirect_vreg.gather [hbm4b:s18+s3], $0x80, v2, vm0, $0xb8;
	[tilespmem:$0x19400] =	vst v63  }
0x8a: {  	_ =	swait.ge [sflag:s2], $0x8000  }
0x8b: {  	[sflag:s2] =	ssyncset.done $0x0  }
0x8c: {  	[sflag:s2] =	ssyncadd.s32 $0xFFFF8000  }
0x8d: {  	v2 =	vld.msk [tilespmem:$0x180], $0xff;
	_ =	sdelay $0x4  }
0x8e: {  	v3 =	vshll.u32 v2, $0x5  }
0x8f: {  	v2 =	vand.u32 $0x7, v2;
	v3 =	vand.u32 $0xFFFFFF00, v3  }
0x90: {  	v2 =	vor.u32 v2, v3  }
0x91: {  	v2 =	vperm.xlane v2, v0;
	_ =	sdelay $0x1  }
0x92: {  	v2 =	vadd.s32 v1, v2;
	_ =	sdelay $0x3  }
0x93: {  	s22 =	simm.s32 $0x400  }
0x94: {  	[tilespmem:s22], [sflag:$0x1] =	stream.indirect_vreg.gather [hbm4b:s0+s3], $0x80, v2, vm0, $0xb8;
	[tilespmem:$0x19400] =	vst v63  }
0x95: {  	s22 =	simm.s32 $0xC00  }
0x96: {  	[tilespmem:s22], [sflag:$0x1] =	stream.indirect_vreg.gather [hbm4b:s4+s3], $0x80, v2, vm0, $0xb8;
	[tilespmem:$0x19400] =	vst v63  }
0x97: {  	s22 =	simm.s32 $0x1400  }
0x98: {  	[tilespmem:s22], [sflag:$0x1] =	stream.indirect_vreg.gather [hbm4b:s5+s3], $0x80, v2, vm0, $0xb8;
	[tilespmem:$0x19400] =	vst v63  }
0x99: {  	s22 =	simm.s32 $0x1C00  }
0x9a: {  	[tilespmem:s22], [sflag:$0x1] =	stream.indirect_vreg.gather [hbm4b:s6+s3], $0x80, v2, vm0, $0xb8;
	[tilespmem:$0x19400] =	vst v63  }
0x9b: {  	s22 =	simm.s32 $0x2400  }
0x9c: {  	[tilespmem:s22], [sflag:$0x1] =	stream.indirect_vreg.gather [hbm4b:s7+s3], $0x80, v2, vm0, $0xb8;
	[tilespmem:$0x19400] =	vst v63  }
0x9d: {  	s22 =	simm.s32 $0x2C00  }
0x9e: {  	[tilespmem:s22], [sflag:$0x1] =	stream.indirect_vreg.gather [hbm4b:s8+s3], $0x80, v2, vm0, $0xb8;
	[tilespmem:$0x19400] =	vst v63  }
0x9f: {  	s22 =	simm.s32 $0x3400  }
0xa0: {  	[tilespmem:s22], [sflag:$0x1] =	stream.indirect_vreg.gather [hbm4b:s9+s3], $0x80, v2, vm0, $0xb8;
	[tilespmem:$0x19400] =	vst v63  }
0xa1: {  	s22 =	simm.s32 $0x3C00  }
0xa2: {  	[tilespmem:s22], [sflag:$0x1] =	stream.indirect_vreg.gather [hbm4b:s10+s3], $0x80, v2, vm0, $0xb8;
	[tilespmem:$0x19400] =	vst v63  }
0xa3: {  	s22 =	simm.s32 $0x4400  }
0xa4: {  	[tilespmem:s22], [sflag:$0x1] =	stream.indirect_vreg.gather [hbm4b:s11+s3], $0x80, v2, vm0, $0xb8;
	[tilespmem:$0x19400] =	vst v63  }
0xa5: {  	s22 =	simm.s32 $0x4C00  }
0xa6: {  	[tilespmem:s22], [sflag:$0x1] =	stream.indirect_vreg.gather [hbm4b:s12+s3], $0x80, v2, vm0, $0xb8;
	[tilespmem:$0x19400] =	vst v63  }
0xa7: {  	s22 =	simm.s32 $0x5400  }
0xa8: {  	[tilespmem:s22], [sflag:$0x1] =	stream.indirect_vreg.gather [hbm4b:s13+s3], $0x80, v2, vm0, $0xb8;
	[tilespmem:$0x19400] =	vst v63  }
0xa9: {  	s22 =	simm.s32 $0x5C00  }
0xaa: {  	[tilespmem:s22], [sflag:$0x1] =	stream.indirect_vreg.gather [hbm4b:s14+s3], $0x80, v2, vm0, $0xb8;
	[tilespmem:$0x19400] =	vst v63  }
0xab: {  	s22 =	simm.s32 $0x6400  }
0xac: {  	[tilespmem:s22], [sflag:$0x1] =	stream.indirect_vreg.gather [hbm4b:s15+s3], $0x80, v2, vm0, $0xb8;
	[tilespmem:$0x19400] =	vst v63  }
0xad: {  	s22 =	simm.s32 $0x6C00  }
0xae: {  	[tilespmem:s22], [sflag:$0x1] =	stream.indirect_vreg.gather [hbm4b:s16+s3], $0x80, v2, vm0, $0xb8;
	[tilespmem:$0x19400] =	vst v63  }
0xaf: {  	s22 =	simm.s32 $0x7400  }
0xb0: {  	[tilespmem:s22], [sflag:$0x1] =	stream.indirect_vreg.gather [hbm4b:s17+s3], $0x80, v2, vm0, $0xb8;
	[tilespmem:$0x19400] =	vst v63  }
0xb1: {  	s22 =	simm.s32 $0x7C00  }
0xb2: {  	[tilespmem:s22], [sflag:$0x1] =	stream.indirect_vreg.gather [hbm4b:s18+s3], $0x80, v2, vm0, $0xb8;
	[tilespmem:$0x19400] =	vst v63  }
0xb3: {  	_ =	swait.ge [sflag:s1], $0x8000  }
0xb4: {  	[sflag:s1] =	ssyncset.done $0x0  }
0xb5: {  	[sflag:s1] =	ssyncadd.s32 $0xFFFF8000  }
0xb6: {  	v2 =	vld.msk [tilespmem:$0x200], $0xff;
	_ =	sdelay $0x4  }
0xb7: {  	v3 =	vshll.u32 v2, $0x5  }
0xb8: {  	v2 =	vand.u32 $0x7, v2;
	v3 =	vand.u32 $0xFFFFFF00, v3  }
0xb9: {  	v2 =	vor.u32 v2, v3  }
0xba: {  	v2 =	vperm.xlane v2, v0;
	_ =	sdelay $0x1  }
0xbb: {  	v2 =	vadd.s32 v1, v2;
	_ =	sdelay $0x3  }
0xbc: {  	s22 =	simm.s32 $0x8400  }
0xbd: {  	[tilespmem:s22], [sflag:$0x2] =	stream.indirect_vreg.gather [hbm4b:s0+s3], $0x80, v2, vm0, $0xb8;
	[tilespmem:$0x19400] =	vst v63  }
0xbe: {  	s22 =	simm.s32 $0x8C00  }
0xbf: {  	[tilespmem:s22], [sflag:$0x2] =	stream.indirect_vreg.gather [hbm4b:s4+s3], $0x80, v2, vm0, $0xb8;
	[tilespmem:$0x19400] =	vst v63  }
0xc0: {  	s22 =	simm.s32 $0x9400  }
0xc1: {  	[tilespmem:s22], [sflag:$0x2] =	stream.indirect_vreg.gather [hbm4b:s5+s3], $0x80, v2, vm0, $0xb8;
	[tilespmem:$0x19400] =	vst v63  }
0xc2: {  	s22 =	simm.s32 $0x9C00  }
0xc3: {  	[tilespmem:s22], [sflag:$0x2] =	stream.indirect_vreg.gather [hbm4b:s6+s3], $0x80, v2, vm0, $0xb8;
	[tilespmem:$0x19400] =	vst v63  }
0xc4: {  	s22 =	simm.s32 $0xA400  }
0xc5: {  	[tilespmem:s22], [sflag:$0x2] =	stream.indirect_vreg.gather [hbm4b:s7+s3], $0x80, v2, vm0, $0xb8;
	[tilespmem:$0x19400] =	vst v63  }
0xc6: {  	s22 =	simm.s32 $0xAC00  }
0xc7: {  	[tilespmem:s22], [sflag:$0x2] =	stream.indirect_vreg.gather [hbm4b:s8+s3], $0x80, v2, vm0, $0xb8;
	[tilespmem:$0x19400] =	vst v63  }
0xc8: {  	s22 =	simm.s32 $0xB400  }
0xc9: {  	[tilespmem:s22], [sflag:$0x2] =	stream.indirect_vreg.gather [hbm4b:s9+s3], $0x80, v2, vm0, $0xb8;
	[tilespmem:$0x19400] =	vst v63  }
0xca: {  	s22 =	simm.s32 $0xBC00  }
0xcb: {  	[tilespmem:s22], [sflag:$0x2] =	stream.indirect_vreg.gather [hbm4b:s10+s3], $0x80, v2, vm0, $0xb8;
	[tilespmem:$0x19400] =	vst v63  }
0xcc: {  	s22 =	simm.s32 $0xC400  }
0xcd: {  	[tilespmem:s22], [sflag:$0x2] =	stream.indirect_vreg.gather [hbm4b:s11+s3], $0x80, v2, vm0, $0xb8;
	[tilespmem:$0x19400] =	vst v63  }
0xce: {  	s22 =	simm.s32 $0xCC00  }
0xcf: {  	[tilespmem:s22], [sflag:$0x2] =	stream.indirect_vreg.gather [hbm4b:s12+s3], $0x80, v2, vm0, $0xb8;
	[tilespmem:$0x19400] =	vst v63  }
0xd0: {  	s22 =	simm.s32 $0xD400  }
0xd1: {  	[tilespmem:s22], [sflag:$0x2] =	stream.indirect_vreg.gather [hbm4b:s13+s3], $0x80, v2, vm0, $0xb8;
	[tilespmem:$0x19400] =	vst v63  }
0xd2: {  	s22 =	simm.s32 $0xDC00  }
0xd3: {  	[tilespmem:s22], [sflag:$0x2] =	stream.indirect_vreg.gather [hbm4b:s14+s3], $0x80, v2, vm0, $0xb8;
	[tilespmem:$0x19400] =	vst v63  }
0xd4: {  	s22 =	simm.s32 $0xE400  }
0xd5: {  	[tilespmem:s22], [sflag:$0x2] =	stream.indirect_vreg.gather [hbm4b:s15+s3], $0x80, v2, vm0, $0xb8;
	[tilespmem:$0x19400] =	vst v63  }
0xd6: {  	s22 =	simm.s32 $0xEC00  }
0xd7: {  	[tilespmem:s22], [sflag:$0x2] =	stream.indirect_vreg.gather [hbm4b:s16+s3], $0x80, v2, vm0, $0xb8;
	[tilespmem:$0x19400] =	vst v63  }
0xd8: {  	s22 =	simm.s32 $0xF400  }
0xd9: {  	[tilespmem:s22], [sflag:$0x2] =	stream.indirect_vreg.gather [hbm4b:s17+s3], $0x80, v2, vm0, $0xb8;
	[tilespmem:$0x19400] =	vst v63  }
0xda: {  	s22 =	simm.s32 $0xFC00  }
0xdb: {  	[tilespmem:s22], [sflag:$0x2] =	stream.indirect_vreg.gather [hbm4b:s18+s3], $0x80, v2, vm0, $0xb8;
	[tilespmem:$0x19400] =	vst v63  }
0xdc: {  	s22 =	simm.s32 $0x3  }
0xdd: {  	_ =	swait.ge [sflag:s22], $0x8000  }
0xde: {  	[sflag:s22] =	ssyncset.done $0x0  }
0xdf: {  	[sflag:s22] =	ssyncadd.s32 $0xFFFF8000  }
0xe0: {  	v2 =	vld.msk [tilespmem:$0x280], $0xff;
	_ =	sdelay $0x4  }
0xe1: {  	v3 =	vshll.u32 v2, $0x5  }
0xe2: {  	v2 =	vand.u32 $0x7, v2;
	v3 =	vand.u32 $0xFFFFFF00, v3  }
0xe3: {  	v2 =	vor.u32 v2, v3  }
0xe4: {  	v2 =	vperm.xlane v2, v0;
	_ =	sdelay $0x1  }
0xe5: {  	v2 =	vadd.s32 v1, v2;
	_ =	sdelay $0x4  }
0xe6: {  	[tilespmem:s20], [sflag:$0x3] =	stream.indirect_vreg.gather [hbm4b:s0+s3], $0x80, v2, vm0, $0xb8;
	[tilespmem:$0x19400] =	vst v63  }
0xe7: {  	_ = 	snop  }
0xe8: {  	[tilespmem:s21], [sflag:$0x3] =	stream.indirect_vreg.gather [hbm4b:s4+s3], $0x80, v2, vm0, $0xb8;
	[tilespmem:$0x19400] =	vst v63  }
0xe9: {  	_ = 	snop  }
0xea: {  	[tilespmem:s26], [sflag:$0x3] =	stream.indirect_vreg.gather [hbm4b:s5+s3], $0x80, v2, vm0, $0xb8;
	[tilespmem:$0x19400] =	vst v63  }
0xeb: {  	_ = 	snop  }
0xec: {  	[tilespmem:s28], [sflag:$0x3] =	stream.indirect_vreg.gather [hbm4b:s6+s3], $0x80, v2, vm0, $0xb8;
	[tilespmem:$0x19400] =	vst v63  }
0xed: {  	_ = 	snop  }
0xee: {  	[tilespmem:s29], [sflag:$0x3] =	stream.indirect_vreg.gather [hbm4b:s7+s3], $0x80, v2, vm0, $0xb8;
	[tilespmem:$0x19400] =	vst v63  }
0xef: {  	_ = 	snop  }
0xf0: {  	[tilespmem:s30], [sflag:$0x3] =	stream.indirect_vreg.gather [hbm4b:s8+s3], $0x80, v2, vm0, $0xb8;
	[tilespmem:$0x19400] =	vst v63  }
0xf1: {  	_ = 	snop  }
0xf2: {  	[tilespmem:s31], [sflag:$0x3] =	stream.indirect_vreg.gather [hbm4b:s9+s3], $0x80, v2, vm0, $0xb8;
	[tilespmem:$0x19400] =	vst v63  }
0xf3: {  	s21 =	simm.s32 $0x13C00  }
0xf4: {  	[tilespmem:s21], [sflag:$0x3] =	stream.indirect_vreg.gather [hbm4b:s10+s3], $0x80, v2, vm0, $0xb8;
	[tilespmem:$0x19400] =	vst v63  }
0xf5: {  	_ = 	snop  }
0xf6: {  	[tilespmem:s23], [sflag:$0x3] =	stream.indirect_vreg.gather [hbm4b:s11+s3], $0x80, v2, vm0, $0xb8;
	[tilespmem:$0x19400] =	vst v63  }
0xf7: {  	_ = 	snop  }
0xf8: {  	[tilespmem:s24], [sflag:$0x3] =	stream.indirect_vreg.gather [hbm4b:s12+s3], $0x80, v2, vm0, $0xb8;
	[tilespmem:$0x19400] =	vst v63  }
0xf9: {  	_ = 	snop  }
0xfa: {  	[tilespmem:s25], [sflag:$0x3] =	stream.indirect_vreg.gather [hbm4b:s13+s3], $0x80, v2, vm0, $0xb8;
	[tilespmem:$0x19400] =	vst v63  }
0xfb: {  	s23 =	simm.s32 $0x15C00  }
0xfc: {  	[tilespmem:s23], [sflag:$0x3] =	stream.indirect_vreg.gather [hbm4b:s14+s3], $0x80, v2, vm0, $0xb8;
	[tilespmem:$0x19400] =	vst v63  }
0xfd: {  	s24 =	simm.s32 $0x16400  }
0xfe: {  	[tilespmem:s24], [sflag:$0x3] =	stream.indirect_vreg.gather [hbm4b:s15+s3], $0x80, v2, vm0, $0xb8;
	[tilespmem:$0x19400] =	vst v63  }
0xff: {  	s25 =	simm.s32 $0x16C00  }
0x100: {  	[tilespmem:s25], [sflag:$0x3] =	stream.indirect_vreg.gather [hbm4b:s16+s3], $0x80, v2, vm0, $0xb8;
	[tilespmem:$0x19400] =	vst v63  }
0x101: {  	s21 =	simm.s32 $0x17400  }
0x102: {  	[tilespmem:s21], [sflag:$0x3] =	stream.indirect_vreg.gather [hbm4b:s17+s3], $0x80, v2, vm0, $0xb8;
	[tilespmem:$0x19400] =	vst v63  }
0x103: {  	s23 =	simm.s32 $0x17C00  }
0x104: {  	[tilespmem:s23], [sflag:$0x3] =	stream.indirect_vreg.gather [hbm4b:s18+s3], $0x80, v2, vm0, $0xb8;
	[tilespmem:$0x19400] =	vst v63  }
0x105: {  	_ =	swait.ge [sflag:s2], $0x8000  }
0x106: {  	[sflag:s2] =	ssyncset.done $0x0  }
0x107: {  	[sflag:s2] =	ssyncadd.s32 $0xFFFF8000  }
0x108: {  	v2 =	vld.msk [tilespmem:$0x300], $0xff;
	_ =	sdelay $0x4  }
0x109: {  	v3 =	vshll.u32 v2, $0x5  }
0x10a: {  	v2 =	vand.u32 $0x7, v2;
	v3 =	vand.u32 $0xFFFFFF00, v3  }
0x10b: {  	v2 =	vor.u32 v2, v3  }
0x10c: {  	v2 =	vperm.xlane v2, v0;
	_ =	sdelay $0x1  }
0x10d: {  	v2 =	vadd.s32 v1, v2;
	_ =	sdelay $0x3  }
0x10e: {  	s24 =	simm.s32 $0x400  }
0x10f: {  	[tilespmem:s24], [sflag:$0x1] =	stream.indirect_vreg.gather [hbm4b:s0+s3], $0x80, v2, vm0, $0xb8;
	[tilespmem:$0x19400] =	vst v63  }
0x110: {  	s25 =	simm.s32 $0xC00  }
0x111: {  	[tilespmem:s25], [sflag:$0x1] =	stream.indirect_vreg.gather [hbm4b:s4+s3], $0x80, v2, vm0, $0xb8;
	[tilespmem:$0x19400] =	vst v63  }
0x112: {  	s23 =	simm.s32 $0x1400  }
0x113: {  	[tilespmem:s23], [sflag:$0x1] =	stream.indirect_vreg.gather [hbm4b:s5+s3], $0x80, v2, vm0, $0xb8;
	[tilespmem:$0x19400] =	vst v63  }
0x114: {  	s24 =	simm.s32 $0x1C00  }
0x115: {  	[tilespmem:s24], [sflag:$0x1] =	stream.indirect_vreg.gather [hbm4b:s6+s3], $0x80, v2, vm0, $0xb8;
	[tilespmem:$0x19400] =	vst v63  }
0x116: {  	s25 =	simm.s32 $0x2400  }
0x117: {  	[tilespmem:s25], [sflag:$0x1] =	stream.indirect_vreg.gather [hbm4b:s7+s3], $0x80, v2, vm0, $0xb8;
	[tilespmem:$0x19400] =	vst v63  }
0x118: {  	s23 =	simm.s32 $0x2C00  }
0x119: {  	[tilespmem:s23], [sflag:$0x1] =	stream.indirect_vreg.gather [hbm4b:s8+s3], $0x80, v2, vm0, $0xb8;
	[tilespmem:$0x19400] =	vst v63  }
0x11a: {  	s24 =	simm.s32 $0x3400  }
0x11b: {  	[tilespmem:s24], [sflag:$0x1] =	stream.indirect_vreg.gather [hbm4b:s9+s3], $0x80, v2, vm0, $0xb8;
	[tilespmem:$0x19400] =	vst v63  }
0x11c: {  	s25 =	simm.s32 $0x3C00  }
0x11d: {  	[tilespmem:s25], [sflag:$0x1] =	stream.indirect_vreg.gather [hbm4b:s10+s3], $0x80, v2, vm0, $0xb8;
	[tilespmem:$0x19400] =	vst v63  }
0x11e: {  	s23 =	simm.s32 $0x4400  }
0x11f: {  	[tilespmem:s23], [sflag:$0x1] =	stream.indirect_vreg.gather [hbm4b:s11+s3], $0x80, v2, vm0, $0xb8;
	[tilespmem:$0x19400] =	vst v63  }
0x120: {  	s24 =	simm.s32 $0x4C00  }
0x121: {  	[tilespmem:s24], [sflag:$0x1] =	stream.indirect_vreg.gather [hbm4b:s12+s3], $0x80, v2, vm0, $0xb8;
	[tilespmem:$0x19400] =	vst v63  }
0x122: {  	s25 =	simm.s32 $0x5400  }
0x123: {  	[tilespmem:s25], [sflag:$0x1] =	stream.indirect_vreg.gather [hbm4b:s13+s3], $0x80, v2, vm0, $0xb8;
	[tilespmem:$0x19400] =	vst v63  }
0x124: {  	s23 =	simm.s32 $0x5C00  }
0x125: {  	[tilespmem:s23], [sflag:$0x1] =	stream.indirect_vreg.gather [hbm4b:s14+s3], $0x80, v2, vm0, $0xb8;
	[tilespmem:$0x19400] =	vst v63  }
0x126: {  	s24 =	simm.s32 $0x6400  }
0x127: {  	[tilespmem:s24], [sflag:$0x1] =	stream.indirect_vreg.gather [hbm4b:s15+s3], $0x80, v2, vm0, $0xb8;
	[tilespmem:$0x19400] =	vst v63  }
0x128: {  	s25 =	simm.s32 $0x6C00  }
0x129: {  	[tilespmem:s25], [sflag:$0x1] =	stream.indirect_vreg.gather [hbm4b:s16+s3], $0x80, v2, vm0, $0xb8;
	[tilespmem:$0x19400] =	vst v63  }
0x12a: {  	s23 =	simm.s32 $0x7400  }
0x12b: {  	[tilespmem:s23], [sflag:$0x1] =	stream.indirect_vreg.gather [hbm4b:s17+s3], $0x80, v2, vm0, $0xb8;
	[tilespmem:$0x19400] =	vst v63  }
0x12c: {  	s24 =	simm.s32 $0x7C00  }
0x12d: {  	[tilespmem:s24], [sflag:$0x1] =	stream.indirect_vreg.gather [hbm4b:s18+s3], $0x80, v2, vm0, $0xb8;
	[tilespmem:$0x19400] =	vst v63  }
0x12e: {  	_ =	swait.ge [sflag:s1], $0x8000  }
0x12f: {  	[sflag:s1] =	ssyncset.done $0x0  }
0x130: {  	[sflag:s1] =	ssyncadd.s32 $0xFFFF8000  }
0x131: {  	v2 =	vld.msk [tilespmem:$0x380], $0xff;
	_ =	sdelay $0x4  }
0x132: {  	v3 =	vshll.u32 v2, $0x5  }
0x133: {  	v2 =	vand.u32 $0x7, v2;
	v3 =	vand.u32 $0xFFFFFF00, v3  }
0x134: {  	v2 =	vor.u32 v2, v3  }
0x135: {  	v2 =	vperm.xlane v2, v0;
	_ =	sdelay $0x1  }
0x136: {  	v2 =	vadd.s32 v1, v2;
	_ =	sdelay $0x3  }
0x137: {  	s25 =	simm.s32 $0x8400  }
0x138: {  	[tilespmem:s25], [sflag:$0x2] =	stream.indirect_vreg.gather [hbm4b:s0+s3], $0x80, v2, vm0, $0xb8;
	[tilespmem:$0x19400] =	vst v63  }
0x139: {  	s23 =	simm.s32 $0x8C00  }
0x13a: {  	[tilespmem:s23], [sflag:$0x2] =	stream.indirect_vreg.gather [hbm4b:s4+s3], $0x80, v2, vm0, $0xb8;
	[tilespmem:$0x19400] =	vst v63  }
0x13b: {  	s24 =	simm.s32 $0x9400  }
0x13c: {  	[tilespmem:s24], [sflag:$0x2] =	stream.indirect_vreg.gather [hbm4b:s5+s3], $0x80, v2, vm0, $0xb8;
	[tilespmem:$0x19400] =	vst v63  }
0x13d: {  	s25 =	simm.s32 $0x9C00  }
0x13e: {  	[tilespmem:s25], [sflag:$0x2] =	stream.indirect_vreg.gather [hbm4b:s6+s3], $0x80, v2, vm0, $0xb8;
	[tilespmem:$0x19400] =	vst v63  }
0x13f: {  	s21 =	simm.s32 $0xA400  }
0x140: {  	[tilespmem:s21], [sflag:$0x2] =	stream.indirect_vreg.gather [hbm4b:s7+s3], $0x80, v2, vm0, $0xb8;
	[tilespmem:$0x19400] =	vst v63  }
0x141: {  	s23 =	simm.s32 $0xAC00  }
0x142: {  	[tilespmem:s23], [sflag:$0x2] =	stream.indirect_vreg.gather [hbm4b:s8+s3], $0x80, v2, vm0, $0xb8;
	[tilespmem:$0x19400] =	vst v63  }
0x143: {  	s24 =	simm.s32 $0xB400  }
0x144: {  	[tilespmem:s24], [sflag:$0x2] =	stream.indirect_vreg.gather [hbm4b:s9+s3], $0x80, v2, vm0, $0xb8;
	[tilespmem:$0x19400] =	vst v63  }
0x145: {  	s25 =	simm.s32 $0xBC00  }
0x146: {  	[tilespmem:s25], [sflag:$0x2] =	stream.indirect_vreg.gather [hbm4b:s10+s3], $0x80, v2, vm0, $0xb8;
	[tilespmem:$0x19400] =	vst v63  }
0x147: {  	s21 =	simm.s32 $0xC400  }
0x148: {  	[tilespmem:s21], [sflag:$0x2] =	stream.indirect_vreg.gather [hbm4b:s11+s3], $0x80, v2, vm0, $0xb8;
	[tilespmem:$0x19400] =	vst v63  }
0x149: {  	s23 =	simm.s32 $0xCC00  }
0x14a: {  	[tilespmem:s23], [sflag:$0x2] =	stream.indirect_vreg.gather [hbm4b:s12+s3], $0x80, v2, vm0, $0xb8;
	[tilespmem:$0x19400] =	vst v63  }
0x14b: {  	s24 =	simm.s32 $0xD400  }
0x14c: {  	[tilespmem:s24], [sflag:$0x2] =	stream.indirect_vreg.gather [hbm4b:s13+s3], $0x80, v2, vm0, $0xb8;
	[tilespmem:$0x19400] =	vst v63  }
0x14d: {  	s25 =	simm.s32 $0xDC00  }
0x14e: {  	[tilespmem:s25], [sflag:$0x2] =	stream.indirect_vreg.gather [hbm4b:s14+s3], $0x80, v2, vm0, $0xb8;
	[tilespmem:$0x19400] =	vst v63  }
0x14f: {  	s21 =	simm.s32 $0xE400  }
0x150: {  	[tilespmem:s21], [sflag:$0x2] =	stream.indirect_vreg.gather [hbm4b:s15+s3], $0x80, v2, vm0, $0xb8;
	[tilespmem:$0x19400] =	vst v63  }
0x151: {  	s23 =	simm.s32 $0xEC00  }
0x152: {  	[tilespmem:s23], [sflag:$0x2] =	stream.indirect_vreg.gather [hbm4b:s16+s3], $0x80, v2, vm0, $0xb8;
	[tilespmem:$0x19400] =	vst v63  }
0x153: {  	s24 =	simm.s32 $0xF400  }
0x154: {  	[tilespmem:s24], [sflag:$0x2] =	stream.indirect_vreg.gather [hbm4b:s17+s3], $0x80, v2, vm0, $0xb8;
	[tilespmem:$0x19400] =	vst v63  }
0x155: {  	s25 =	simm.s32 $0xFC00  }
0x156: {  	[tilespmem:s25], [sflag:$0x2] =	stream.indirect_vreg.gather [hbm4b:s18+s3], $0x80, v2, vm0, $0xb8;
	[tilespmem:$0x19400] =	vst v63  }
0x157: {  	_ =	swait.ge [sflag:s22], $0x8000  }
0x158: {  	[sflag:s22] =	ssyncset.done $0x0  }
0x159: {  	[sflag:s22] =	ssyncadd.s32 $0xFFFF8000  }
0x15a: {  	_ =	swait.ge [sflag:s2], $0x8000  }
0x15b: {  	[sflag:s2] =	ssyncset.done $0x0  }
0x15c: {  	[sflag:s2] =	ssyncadd.s32 $0xFFFF8000  }
0x15d: {  	_ =	swait.ge [sflag:s1], $0x8000  }
0x15e: {  	p0 =	sne.s32 s19, $0x1;
	s20 =	simm.s32 $0x400;
	s0 =	rddreg [dreg:$0x4]  }
0x15f: {  	s24 =	simm.s32 $0x4;
	s21 =	rddreg [dreg:$0x5];
	[sflag:s1] =	ssyncset.done $0x0  }
.Ltmp0:
0x160: {  	s22 =	rddreg [dreg:$0x6];
	[sflag:s1] =	ssyncadd.s32 $0xFFFF8000;
	(pc) =	sbr.rel @p0 .LBB2_1-.Ltmp0, $4  }
0x161: {  	[hbm4b:s0+s21] =	stream.strided.scatter [tilespmem:s22], [sflag:$0x4], $0x1000, s20, s21, $0x38;
	[tilespmem:$0x19400] =	vst v63  }
0x162: {  	_ =	swait.ge [sflag:s24], $0x1000  }
0x163: {  	s25 =	simm.s32 $0x4;
	[sflag:s24] =	ssyncset.done $0x0  }
0x164: {  	s19 =	sadd.s32 $0xFFFFFFFF, s19;
	[sflag:s25] =	ssyncadd.s32 $0xFFFFF000  }
0x165: {  	_ =	sfence.sel $0x180000  }
0x166: {  	[bflag:$0x0] =	sbarrier.arrive $0xFFFF  }
0x167: {  	_ =	strace $0x90000047  }
0x168: {  	s0 =	stileid.u32;
	[bflag:$0x2] =	sbarrier.arrive $0xFFFF  }
0x169: {  	p0 =	sne.s32 s0, $0x0;
	s0 =	rddreg [dreg:$0x2]  }
0x16a: {  	s0 =	sadd.s32 @!p0 $0x100000, s0  }
0x16b: {  	[sflag:s0] =	ssyncadd.tile.s32 @!p0 $0x1;
	_ =	shalt  }
.Lfunc_end2:
_tile_overlayer_lowered:
.L_overlay_start_2:
0x16c: {  	(tag) =	ssettag $0x2  }
0x16d: {  	s0 =	rddreg [dreg:$0x0];
	s2 =	stileid.u32  }
0x16e: {  	s1 =	rddreg [dreg:$0x1];
	p0 =	sne.s32 s2, $0x0  }
0x16f: {  	s3 =	rddreg [dreg:$0x2];
	[bflag:$0x3] =	sbarrier.arrive $0xFFFF;
	s2 =	simm.s32 @!p0 $0x1C04  }
0x170: {  	[timem:s3], [sflag:s2] =	dma.local @!p0 [hbm:s0], s1  }
0x171: {  	s0 =	simm.s32 @!p0 $0x4  }
0x172: {  	_ =	swait.ge @!p0 [sflag:s0], s1  }
0x173: {  	s1 =	ssub.s32 @!p0 $0x0, s1;
	[sflag:s0] =	ssyncset.done @!p0 $0x0  }
0x174: {  	[sflag:s0] =	ssyncadd.s32 @!p0 s1  }
0x175: {  	[bflag:$0x3] =	sbarrier.arrive $0xFFFF  }
0x176: {  	_ =	shalt  }

</sc_bundles>
